<compile_context>
chip_gen: v7x
topology: tpu7x:2x2x1
jax: 0.10.2.dev20260603
libtpu: 0.0.44.dev20260713+nightly
codegen_flags: <defaults>
</compile_context>

<pallas_src>
import functools

import jax
import jax.numpy as jnp
from jax import lax
from jax.experimental import pallas as pl
from jax.experimental.pallas import tpu as pltpu
from jax.experimental.pallas import tpu_sc as plsc

N = 320000
D = 128
S = 1024

NC = 2
NS = 16
NW = NC * NS
ROWS_PER_TILE = N // NW
CHUNK = 400
NCHUNKS = ROWS_PER_TILE // CHUNK
SUB = 80
NSUB = CHUNK // SUB
SEG_PER_TILE = S // NS


def _sc_segment_sum(x, idx, zsums, zcounts, ones):
    mesh = plsc.VectorSubcoreMesh(core_axis_name="c", subcore_axis_name="s")

    @functools.partial(
        pl.kernel,
        out_type=[
            jax.ShapeDtypeStruct((NC, S, D), jnp.float32),
            jax.ShapeDtypeStruct((NC * S,), jnp.float32),
        ],
        mesh=mesh,
        scratch_types=[
            [pltpu.VMEM((CHUNK, D), jnp.float32) for _ in range(2)],
            [[pltpu.VMEM((SUB,), jnp.int32) for _ in range(NSUB)]
             for _ in range(2)],
            pltpu.VMEM((SUB,), jnp.float32),
            pltpu.VMEM((SEG_PER_TILE,), jnp.float32),
            pltpu.VMEM_SHARED((S, D), jnp.float32),
            pltpu.VMEM_SHARED((S,), jnp.float32),
            [pltpu.SemaphoreType.DMA for _ in range(2)],
            [pltpu.SemaphoreType.DMA for _ in range(2)],
        ],
    )
    def seg_sum(x_hbm, idx_hbm, zs_hbm, zc_hbm, ones_hbm, out_sums, out_counts,
                xbufs, idxbufs, onesbuf, cbuf, acc_sums, acc_counts, sems,
                ssems):
        cid = lax.axis_index("c")
        sid = lax.axis_index("s")
        wid = sid * NC + cid
        seg0 = sid * SEG_PER_TILE
        row0 = wid * ROWS_PER_TILE

        def issue_loads(ci, b):
            base = row0 + ci * CHUNK
            pltpu.async_copy(x_hbm.at[pl.ds(base, CHUNK)], xbufs[b], sems[b])
            for j in range(NSUB):
                pltpu.async_copy(idx_hbm.at[pl.ds(base + j * SUB, SUB)],
                                 idxbufs[b][j], sems[b])

        def drain_loads(b):
            pltpu.make_async_copy(x_hbm.at[pl.ds(0, CHUNK)], xbufs[b],
                                  sems[b]).wait()
            for j in range(NSUB):
                pltpu.make_async_copy(idx_hbm.at[pl.ds(0, SUB)],
                                      idxbufs[b][j], sems[b]).wait()

        def issue_scatters(b):
            for j in range(NSUB):
                pltpu.async_copy(xbufs[b].at[pl.ds(j * SUB, SUB)],
                                 acc_sums.at[idxbufs[b][j]], ssems[b],
                                 add=True)
                pltpu.async_copy(onesbuf, acc_counts.at[idxbufs[b][j]],
                                 ssems[b], add=True)

        def drain_scatters(b):
            for j in range(NSUB):
                pltpu.make_async_copy(xbufs[b].at[pl.ds(j * SUB, SUB)],
                                      acc_sums.at[idxbufs[b][j]],
                                      ssems[b]).wait()
                pltpu.make_async_copy(onesbuf, acc_counts.at[idxbufs[b][j]],
                                      ssems[b]).wait()

        issue_loads(0, 0)
        pltpu.sync_copy(zs_hbm.at[pl.ds(seg0, SEG_PER_TILE)],
                        acc_sums.at[pl.ds(seg0, SEG_PER_TILE)])
        pltpu.sync_copy(zc_hbm.at[pl.ds(seg0, SEG_PER_TILE)], cbuf)
        pltpu.sync_copy(cbuf, acc_counts.at[pl.ds(seg0, SEG_PER_TILE)])
        pltpu.sync_copy(ones_hbm, onesbuf)
        plsc.subcore_barrier()

        def body(i, carry):
            ci = i * 2
            drain_loads(0)
            issue_loads(ci + 1, 1)
            issue_scatters(0)
            drain_loads(1)
            drain_scatters(0)
            issue_loads(ci + 2, 0)
            issue_scatters(1)
            drain_scatters(1)
            return carry

        lax.fori_loop(0, (NCHUNKS - 1) // 2, body, 0)
        drain_loads(0)
        issue_scatters(0)
        drain_scatters(0)
        plsc.subcore_barrier()

        pltpu.sync_copy(acc_sums.at[pl.ds(seg0, SEG_PER_TILE)],
                        out_sums.at[cid, pl.ds(seg0, SEG_PER_TILE)])
        pltpu.sync_copy(acc_counts.at[pl.ds(seg0, SEG_PER_TILE)], cbuf)
        pltpu.sync_copy(cbuf, out_counts.at[pl.ds(cid * S + seg0, SEG_PER_TILE)])

    return seg_sum(x, idx, zsums, zcounts, ones)


def _finalize(psums, pcounts_t, gamma1, beta1, W1, b1, W2, b2, gamma2, beta2):
    def body(ps_ref, pc_ref, g1_ref, be1_ref, w1_ref, b1_ref, w2_ref, b2_ref,
             g2_ref, be2_ref, out_ref):
        sums = ps_ref[0] + ps_ref[1]
        counts = jnp.sum(pc_ref[...], axis=1, keepdims=True)
        counts = jnp.maximum(counts, 1.0)
        h = sums / counts

        mean = jnp.mean(h, axis=-1, keepdims=True)
        var = jnp.mean((h - mean) * (h - mean), axis=-1, keepdims=True)
        h = (h - mean) * lax.rsqrt(var + 1e-5) * g1_ref[...] + be1_ref[...]

        y = lax.dot_general(h, w1_ref[...], (((1,), (1,)), ((), ())),
                            preferred_element_type=jnp.float32) + b1_ref[...]
        y = jnp.where(y > 0.0, y, jnp.exp(jnp.minimum(y, 0.0)) - 1.0)
        y = lax.dot_general(y, w2_ref[...], (((1,), (1,)), ((), ())),
                            preferred_element_type=jnp.float32) + b2_ref[...]
        y = y + h

        mean2 = jnp.mean(y, axis=-1, keepdims=True)
        var2 = jnp.mean((y - mean2) * (y - mean2), axis=-1, keepdims=True)
        out_ref[...] = ((y - mean2) * lax.rsqrt(var2 + 1e-5) * g2_ref[...]
                        + be2_ref[...])

    return pl.pallas_call(
        body,
        out_shape=jax.ShapeDtypeStruct((S, D), jnp.float32),
    )(psums, pcounts_t, gamma1.reshape(1, D), beta1.reshape(1, D), W1,
      b1.reshape(1, D), W2, b2.reshape(1, D), gamma2.reshape(1, D),
      beta2.reshape(1, D))


def kernel(x, graph_index, gamma1, beta1, W1, b1, W2, b2, gamma2, beta2):
    idx = graph_index.astype(jnp.int32)
    zsums = jnp.zeros((S, D), jnp.float32)
    zcounts = jnp.zeros((S,), jnp.float32)
    ones = jnp.ones((SUB,), jnp.float32)
    psums, pcounts = _sc_segment_sum(x, idx, zsums, zcounts, ones)
    pcounts_t = pcounts.reshape(NC, S).T
    return _finalize(psums, pcounts_t, gamma1, beta1, W1, b1, W2, b2, gamma2,
                     beta2)

# --- scband reference (transcript-rebuilt; emitter-appended) ---
"""Pipeline reference for scband-mean-pooling-31344671326428 (READ-ONLY COPY).

The authoritative reference and input builder live on the scoring server;
editing this copy changes nothing except your own understanding.
"""

import jax, jax.numpy as jnp
import numpy as np

N = 320000
D = 128
NUM_SEGMENTS = 1024


def layer_norm(x, gamma, beta, eps=1e-5):
    mean = jnp.mean(x, axis=-1, keepdims=True)
    var = jnp.var(x, axis=-1, keepdims=True)
    return (x - mean) / jnp.sqrt(var + eps) * gamma + beta


def setup_inputs(seed: int = 0) -> dict:
    key = jax.random.key(seed)
    k1, k2, k3, k4 = jax.random.split(key, 4)
    x = jax.random.normal(k1, (N, D), dtype=jnp.float32)
    graph_index = jnp.sort(jax.random.randint(k2, (N,), 0, NUM_SEGMENTS, dtype=jnp.int64))
    W1 = jax.random.normal(k3, (D, D), dtype=jnp.float32) * 0.05
    b1 = jnp.zeros((D,), dtype=jnp.float32)
    W2 = jax.random.normal(k4, (D, D), dtype=jnp.float32) * 0.05
    b2 = jnp.zeros((D,), dtype=jnp.float32)
    gamma1 = jnp.ones((D,), dtype=jnp.float32)
    beta1 = jnp.zeros((D,), dtype=jnp.float32)
    gamma2 = jnp.ones((D,), dtype=jnp.float32)
    beta2 = jnp.zeros((D,), dtype=jnp.float32)
    return {"x": x, "graph_index": graph_index, "gamma1": gamma1, "beta1": beta1,
            "W1": W1, "b1": b1, "W2": W2, "b2": b2, "gamma2": gamma2, "beta2": beta2}


def reference(x, graph_index, gamma1, beta1, W1, b1, W2, b2, gamma2, beta2):
    # global_mean_pool: segment mean over graph_index
    sums = jax.ops.segment_sum(x, graph_index, num_segments=NUM_SEGMENTS)
    counts = jax.ops.segment_sum(jnp.ones((x.shape[0],), dtype=x.dtype), graph_index, num_segments=NUM_SEGMENTS)
    counts = jnp.maximum(counts, 1.0)
    h = sums / counts[:, None]
    h = layer_norm(h, gamma1, beta1)
    y = h @ W1.T + b1
    y = jax.nn.elu(y)
    # dropout is identity in eval mode
    y = y @ W2.T + b2
    y = y + h
    y = layer_norm(y, gamma2, beta2)
    return y

if __name__ == "__main__":
    import jax
    _d = setup_inputs()
    print(jax.jit(kernel)(*tuple(_d.values())))

</pallas_src>

<mosaic_0001>
#map = affine_map<(d0, d1) -> (0, 0)>
#map1 = affine_map<(d0, d1) -> (0)>
#map2 = affine_map<(d0, d1) -> (0, 0, 0)>
module attributes {stable_mosaic.version = 14 : i64} {
  func.func @seg_sum(%arg0: i32, %arg1: i32, %arg2: memref<320000x128xf32, #tpu.memory_space<hbm>>, %arg3: memref<320000xi32, #tpu.memory_space<hbm>>, %arg4: memref<1024x128xf32, #tpu.memory_space<hbm>>, %arg5: memref<1024xf32, #tpu.memory_space<hbm>>, %arg6: memref<80xf32, #tpu.memory_space<hbm>>, %arg7: memref<2x1024x128xf32, #tpu.memory_space<hbm>>, %arg8: memref<2048xf32, #tpu.memory_space<hbm>>, %arg9: memref<400x128xf32, #tpu.memory_space<vmem>>, %arg10: memref<400x128xf32, #tpu.memory_space<vmem>>, %arg11: memref<80xi32, #tpu.memory_space<vmem>>, %arg12: memref<80xi32, #tpu.memory_space<vmem>>, %arg13: memref<80xi32, #tpu.memory_space<vmem>>, %arg14: memref<80xi32, #tpu.memory_space<vmem>>, %arg15: memref<80xi32, #tpu.memory_space<vmem>>, %arg16: memref<80xi32, #tpu.memory_space<vmem>>, %arg17: memref<80xi32, #tpu.memory_space<vmem>>, %arg18: memref<80xi32, #tpu.memory_space<vmem>>, %arg19: memref<80xi32, #tpu.memory_space<vmem>>, %arg20: memref<80xi32, #tpu.memory_space<vmem>>, %arg21: memref<80xf32, #tpu.memory_space<vmem>>, %arg22: memref<64xf32, #tpu.memory_space<vmem>>, %arg23: memref<1024x128xf32, #tpu.memory_space<vmem_shared>>, %arg24: memref<1024xf32, #tpu.memory_space<vmem_shared>>, %arg25: memref<!tpu.dma_semaphore, #tpu.memory_space<semaphore_mem>>, %arg26: memref<!tpu.dma_semaphore, #tpu.memory_space<semaphore_mem>>, %arg27: memref<!tpu.dma_semaphore, #tpu.memory_space<semaphore_mem>>, %arg28: memref<!tpu.dma_semaphore, #tpu.memory_space<semaphore_mem>>) attributes {dimension_semantics = [#tpu.dimension_semantics<core_parallel>, #tpu.dimension_semantics<subcore_parallel>], iteration_bounds = array<i64: 2, 16>, scalar_prefetch = 0 : i64, scratch_operands = 20 : i64, tpu.core_type = #tpu.core_type<sc_vector_subcore>, window_params = [{transform_indices = #map}, {transform_indices = #map1}, {transform_indices = #map}, {transform_indices = #map1}, {transform_indices = #map1}, {transform_indices = #map2}, {transform_indices = #map1}]} {
    %mul3A = arith.constant 2 : i32
    %mul3A_0 = arith.muli %arg1, %mul3A : i32
    %add3A = arith.addi %mul3A_0, %arg0 : i32
    %mul3A_1 = arith.constant 64 : i32
    %mul3A_2 = arith.muli %arg1, %mul3A_1 : i32
    %mul3A_3 = arith.constant 10000 : i32
    %mul3A_4 = arith.muli %add3A, %mul3A_3 : i32
    %add3A_5 = arith.constant 0 : i32
    %add3A_6 = arith.addi %mul3A_4, %add3A_5 : i32
    %dma_start3A = arith.constant 0 : i32
    %dma_start3A_7 = tpu.memref_slice %arg2[%add3A_6, %dma_start3A] : memref<320000x128xf32, #tpu.memory_space<hbm>> -> memref<400x128xf32, #tpu.memory_space<hbm>>
    %dma_start3A_8 = arith.constant 0 : i32
    %dma_start3A_9 = tpu.memref_slice %arg2[%add3A_6, %dma_start3A_8] : memref<320000x128xf32, #tpu.memory_space<hbm>> -> memref<400x128xf32, #tpu.memory_space<hbm>>
    tpu.enqueue_dma source(%dma_start3A_9 : memref<400x128xf32, #tpu.memory_space<hbm>>) target(%arg9 : memref<400x128xf32, #tpu.memory_space<vmem>>) target_semaphore(%arg25 : memref<!tpu.dma_semaphore, #tpu.memory_space<semaphore_mem>>)
    %add3A_10 = arith.constant 0 : i32
    %add3A_11 = arith.addi %add3A_6, %add3A_10 : i32
    %dma_start3A_12 = tpu.memref_slice %arg3[%add3A_11] : memref<320000xi32, #tpu.memory_space<hbm>> -> memref<80xi32, #tpu.memory_space<hbm>>
    %dma_start3A_13 = tpu.memref_slice %arg3[%add3A_11] : memref<320000xi32, #tpu.memory_space<hbm>> -> memref<80xi32, #tpu.memory_space<hbm>>
    tpu.enqueue_dma source(%dma_start3A_13 : memref<80xi32, #tpu.memory_space<hbm>>) target(%arg11 : memref<80xi32, #tpu.memory_space<vmem>>) target_semaphore(%arg25 : memref<!tpu.dma_semaphore, #tpu.memory_space<semaphore_mem>>)
    %add3A_14 = arith.constant 80 : i32
    %add3A_15 = arith.addi %add3A_6, %add3A_14 : i32
    %dma_start3A_16 = tpu.memref_slice %arg3[%add3A_15] : memref<320000xi32, #tpu.memory_space<hbm>> -> memref<80xi32, #tpu.memory_space<hbm>>
    %dma_start3A_17 = tpu.memref_slice %arg3[%add3A_15] : memref<320000xi32, #tpu.memory_space<hbm>> -> memref<80xi32, #tpu.memory_space<hbm>>
    tpu.enqueue_dma source(%dma_start3A_17 : memref<80xi32, #tpu.memory_space<hbm>>) target(%arg12 : memref<80xi32, #tpu.memory_space<vmem>>) target_semaphore(%arg25 : memref<!tpu.dma_semaphore, #tpu.memory_space<semaphore_mem>>)
    %add3A_18 = arith.constant 160 : i32
    %add3A_19 = arith.addi %add3A_6, %add3A_18 : i32
    %dma_start3A_20 = tpu.memref_slice %arg3[%add3A_19] : memref<320000xi32, #tpu.memory_space<hbm>> -> memref<80xi32, #tpu.memory_space<hbm>>
    %dma_start3A_21 = tpu.memref_slice %arg3[%add3A_19] : memref<320000xi32, #tpu.memory_space<hbm>> -> memref<80xi32, #tpu.memory_space<hbm>>
    tpu.enqueue_dma source(%dma_start3A_21 : memref<80xi32, #tpu.memory_space<hbm>>) target(%arg13 : memref<80xi32, #tpu.memory_space<vmem>>) target_semaphore(%arg25 : memref<!tpu.dma_semaphore, #tpu.memory_space<semaphore_mem>>)
    %add3A_22 = arith.constant 240 : i32
    %add3A_23 = arith.addi %add3A_6, %add3A_22 : i32
    %dma_start3A_24 = tpu.memref_slice %arg3[%add3A_23] : memref<320000xi32, #tpu.memory_space<hbm>> -> memref<80xi32, #tpu.memory_space<hbm>>
    %dma_start3A_25 = tpu.memref_slice %arg3[%add3A_23] : memref<320000xi32, #tpu.memory_space<hbm>> -> memref<80xi32, #tpu.memory_space<hbm>>
    tpu.enqueue_dma source(%dma_start3A_25 : memref<80xi32, #tpu.memory_space<hbm>>) target(%arg14 : memref<80xi32, #tpu.memory_space<vmem>>) target_semaphore(%arg25 : memref<!tpu.dma_semaphore, #tpu.memory_space<semaphore_mem>>)
    %add3A_26 = arith.constant 320 : i32
    %add3A_27 = arith.addi %add3A_6, %add3A_26 : i32
    %dma_start3A_28 = tpu.memref_slice %arg3[%add3A_27] : memref<320000xi32, #tpu.memory_space<hbm>> -> memref<80xi32, #tpu.memory_space<hbm>>
    %dma_start3A_29 = tpu.memref_slice %arg3[%add3A_27] : memref<320000xi32, #tpu.memory_space<hbm>> -> memref<80xi32, #tpu.memory_space<hbm>>
    tpu.enqueue_dma source(%dma_start3A_29 : memref<80xi32, #tpu.memory_space<hbm>>) target(%arg15 : memref<80xi32, #tpu.memory_space<vmem>>) target_semaphore(%arg25 : memref<!tpu.dma_semaphore, #tpu.memory_space<semaphore_mem>>)
    "tpu.region"() ({
      %run_scoped3A = tpu.sem_alloc : memref<!tpu.dma_semaphore, #tpu.memory_space<semaphore_mem>>
      %dma_start3A_144 = arith.constant 0 : i32
      %dma_start3A_145 = tpu.memref_slice %arg23[%mul3A_2, %dma_start3A_144] : memref<1024x128xf32, #tpu.memory_space<vmem_shared>> -> memref<64x128xf32, #tpu.memory_space<vmem_shared>>
      %dma_start3A_146 = arith.constant 0 : i32
      %dma_start3A_147 = tpu.memref_slice %arg4[%mul3A_2, %dma_start3A_146] : memref<1024x128xf32, #tpu.memory_space<hbm>> -> memref<64x128xf32, #tpu.memory_space<hbm>>
      tpu.enqueue_dma source(%dma_start3A_147 : memref<64x128xf32, #tpu.memory_space<hbm>>) target(%dma_start3A_145 : memref<64x128xf32, #tpu.memory_space<vmem_shared>>) target_semaphore(%run_scoped3A : memref<!tpu.dma_semaphore, #tpu.memory_space<semaphore_mem>>)
      %dma_wait3A_148 = arith.constant 0 : i32
      %dma_wait3A_149 = tpu.memref_slice %arg23[%mul3A_2, %dma_wait3A_148] : memref<1024x128xf32, #tpu.memory_space<vmem_shared>> -> memref<64x128xf32, #tpu.memory_space<vmem_shared>>
      %dma_wait3A_150 = arith.constant 0 : i32
      %dma_wait3A_151 = tpu.memref_slice %arg4[%mul3A_2, %dma_wait3A_150] : memref<1024x128xf32, #tpu.memory_space<hbm>> -> memref<64x128xf32, #tpu.memory_space<hbm>>
      tpu.wait_dma2 semaphore(%run_scoped3A : memref<!tpu.dma_semaphore, #tpu.memory_space<semaphore_mem>>) src(%dma_wait3A_151 : memref<64x128xf32, #tpu.memory_space<hbm>>) dst(%dma_wait3A_149 : memref<64x128xf32, #tpu.memory_space<vmem_shared>>)
      tpu.yield
    }) : () -> ()
    "tpu.region"() ({
      %run_scoped3A = tpu.sem_alloc : memref<!tpu.dma_semaphore, #tpu.memory_space<semaphore_mem>>
      %dma_start3A_144 = tpu.memref_slice %arg5[%mul3A_2] : memref<1024xf32, #tpu.memory_space<hbm>> -> memref<64xf32, #tpu.memory_space<hbm>>
      %dma_start3A_145 = tpu.memref_slice %arg5[%mul3A_2] : memref<1024xf32, #tpu.memory_space<hbm>> -> memref<64xf32, #tpu.memory_space<hbm>>
      tpu.enqueue_dma source(%dma_start3A_145 : memref<64xf32, #tpu.memory_space<hbm>>) target(%arg22 : memref<64xf32, #tpu.memory_space<vmem>>) target_semaphore(%run_scoped3A : memref<!tpu.dma_semaphore, #tpu.memory_space<semaphore_mem>>)
      %dma_wait3A_146 = tpu.memref_slice %arg5[%mul3A_2] : memref<1024xf32, #tpu.memory_space<hbm>> -> memref<64xf32, #tpu.memory_space<hbm>>
      %dma_wait3A_147 = tpu.memref_slice %arg5[%mul3A_2] : memref<1024xf32, #tpu.memory_space<hbm>> -> memref<64xf32, #tpu.memory_space<hbm>>
      tpu.wait_dma2 semaphore(%run_scoped3A : memref<!tpu.dma_semaphore, #tpu.memory_space<semaphore_mem>>) src(%dma_wait3A_147 : memref<64xf32, #tpu.memory_space<hbm>>) dst(%arg22 : memref<64xf32, #tpu.memory_space<vmem>>)
      tpu.yield
    }) : () -> ()
    "tpu.region"() ({
      %run_scoped3A = tpu.sem_alloc : memref<!tpu.dma_semaphore, #tpu.memory_space<semaphore_mem>>
      %dma_start3A_144 = tpu.memref_slice %arg24[%mul3A_2] : memref<1024xf32, #tpu.memory_space<vmem_shared>> -> memref<64xf32, #tpu.memory_space<vmem_shared>>
      %dma_start3A_145 = tpu.memref_slice %arg24[%mul3A_2] : memref<1024xf32, #tpu.memory_space<vmem_shared>> -> memref<64xf32, #tpu.memory_space<vmem_shared>>
      tpu.enqueue_dma source(%arg22 : memref<64xf32, #tpu.memory_space<vmem>>) target(%dma_start3A_145 : memref<64xf32, #tpu.memory_space<vmem_shared>>) target_semaphore(%run_scoped3A : memref<!tpu.dma_semaphore, #tpu.memory_space<semaphore_mem>>)
      %dma_wait3A_146 = tpu.memref_slice %arg24[%mul3A_2] : memref<1024xf32, #tpu.memory_space<vmem_shared>> -> memref<64xf32, #tpu.memory_space<vmem_shared>>
      %dma_wait3A_147 = tpu.memref_slice %arg24[%mul3A_2] : memref<1024xf32, #tpu.memory_space<vmem_shared>> -> memref<64xf32, #tpu.memory_space<vmem_shared>>
      tpu.wait_dma2 semaphore(%run_scoped3A : memref<!tpu.dma_semaphore, #tpu.memory_space<semaphore_mem>>) src(%arg22 : memref<64xf32, #tpu.memory_space<vmem>>) dst(%dma_wait3A_147 : memref<64xf32, #tpu.memory_space<vmem_shared>>)
      tpu.yield
    }) : () -> ()
    "tpu.region"() ({
      %run_scoped3A = tpu.sem_alloc : memref<!tpu.dma_semaphore, #tpu.memory_space<semaphore_mem>>
      tpu.enqueue_dma source(%arg6 : memref<80xf32, #tpu.memory_space<hbm>>) target(%arg21 : memref<80xf32, #tpu.memory_space<vmem>>) target_semaphore(%run_scoped3A : memref<!tpu.dma_semaphore, #tpu.memory_space<semaphore_mem>>)
      tpu.wait_dma2 semaphore(%run_scoped3A : memref<!tpu.dma_semaphore, #tpu.memory_space<semaphore_mem>>) src(%arg6 : memref<80xf32, #tpu.memory_space<hbm>>) dst(%arg21 : memref<80xf32, #tpu.memory_space<vmem>>)
      tpu.yield
    }) : () -> ()
    %barrier3A = arith.constant 0 : index
    tpu.barrier barrier_id(%barrier3A)
    %scan3A = arith.constant 0 : i32
    %scan3A_30 = arith.constant 0 : i32
    %scan3A_31 = arith.constant 12 : i32
    %scan3A_32 = arith.addi %scan3A_30, %scan3A_31 : i32
    %scan3A_33 = arith.constant 1 : i32
    scf.for %scan3A_144 = %scan3A_30 to %scan3A_32 step %scan3A_33  : i32 {
      %mul3A_145 = arith.constant 2 : i32
      %mul3A_146 = arith.muli %scan3A_144, %mul3A_145 : i32
      %dma_wait3A_147 = arith.constant 0 : i32
      %dma_wait3A_148 = arith.constant 0 : i32
      %dma_wait3A_149 = tpu.memref_slice %arg2[%dma_wait3A_147, %dma_wait3A_148] : memref<320000x128xf32, #tpu.memory_space<hbm>> -> memref<400x128xf32, #tpu.memory_space<hbm>>
      %dma_wait3A_150 = arith.constant 0 : i32
      %dma_wait3A_151 = arith.constant 0 : i32
      %dma_wait3A_152 = tpu.memref_slice %arg2[%dma_wait3A_150, %dma_wait3A_151] : memref<320000x128xf32, #tpu.memory_space<hbm>> -> memref<400x128xf32, #tpu.memory_space<hbm>>
      tpu.wait_dma2 semaphore(%arg25 : memref<!tpu.dma_semaphore, #tpu.memory_space<semaphore_mem>>) src(%dma_wait3A_152 : memref<400x128xf32, #tpu.memory_space<hbm>>) dst(%arg9 : memref<400x128xf32, #tpu.memory_space<vmem>>)
      %dma_wait3A_153 = arith.constant 0 : i32
      %dma_wait3A_154 = tpu.memref_slice %arg3[%dma_wait3A_153] : memref<320000xi32, #tpu.memory_space<hbm>> -> memref<80xi32, #tpu.memory_space<hbm>>
      %dma_wait3A_155 = arith.constant 0 : i32
      %dma_wait3A_156 = tpu.memref_slice %arg3[%dma_wait3A_155] : memref<320000xi32, #tpu.memory_space<hbm>> -> memref<80xi32, #tpu.memory_space<hbm>>
      tpu.wait_dma2 semaphore(%arg25 : memref<!tpu.dma_semaphore, #tpu.memory_space<semaphore_mem>>) src(%dma_wait3A_156 : memref<80xi32, #tpu.memory_space<hbm>>) dst(%arg11 : memref<80xi32, #tpu.memory_space<vmem>>)
      %dma_wait3A_157 = arith.constant 0 : i32
      %dma_wait3A_158 = tpu.memref_slice %arg3[%dma_wait3A_157] : memref<320000xi32, #tpu.memory_space<hbm>> -> memref<80xi32, #tpu.memory_space<hbm>>
      %dma_wait3A_159 = arith.constant 0 : i32
      %dma_wait3A_160 = tpu.memref_slice %arg3[%dma_wait3A_159] : memref<320000xi32, #tpu.memory_space<hbm>> -> memref<80xi32, #tpu.memory_space<hbm>>
      tpu.wait_dma2 semaphore(%arg25 : memref<!tpu.dma_semaphore, #tpu.memory_space<semaphore_mem>>) src(%dma_wait3A_160 : memref<80xi32, #tpu.memory_space<hbm>>) dst(%arg12 : memref<80xi32, #tpu.memory_space<vmem>>)
      %dma_wait3A_161 = arith.constant 0 : i32
      %dma_wait3A_162 = tpu.memref_slice %arg3[%dma_wait3A_161] : memref<320000xi32, #tpu.memory_space<hbm>> -> memref<80xi32, #tpu.memory_space<hbm>>
      %dma_wait3A_163 = arith.constant 0 : i32
      %dma_wait3A_164 = tpu.memref_slice %arg3[%dma_wait3A_163] : memref<320000xi32, #tpu.memory_space<hbm>> -> memref<80xi32, #tpu.memory_space<hbm>>
      tpu.wait_dma2 semaphore(%arg25 : memref<!tpu.dma_semaphore, #tpu.memory_space<semaphore_mem>>) src(%dma_wait3A_164 : memref<80xi32, #tpu.memory_space<hbm>>) dst(%arg13 : memref<80xi32, #tpu.memory_space<vmem>>)
      %dma_wait3A_165 = arith.constant 0 : i32
      %dma_wait3A_166 = tpu.memref_slice %arg3[%dma_wait3A_165] : memref<320000xi32, #tpu.memory_space<hbm>> -> memref<80xi32, #tpu.memory_space<hbm>>
      %dma_wait3A_167 = arith.constant 0 : i32
      %dma_wait3A_168 = tpu.memref_slice %arg3[%dma_wait3A_167] : memref<320000xi32, #tpu.memory_space<hbm>> -> memref<80xi32, #tpu.memory_space<hbm>>
      tpu.wait_dma2 semaphore(%arg25 : memref<!tpu.dma_semaphore, #tpu.memory_space<semaphore_mem>>) src(%dma_wait3A_168 : memref<80xi32, #tpu.memory_space<hbm>>) dst(%arg14 : memref<80xi32, #tpu.memory_space<vmem>>)
      %dma_wait3A_169 = arith.constant 0 : i32
      %dma_wait3A_170 = tpu.memref_slice %arg3[%dma_wait3A_169] : memref<320000xi32, #tpu.memory_space<hbm>> -> memref<80xi32, #tpu.memory_space<hbm>>
      %dma_wait3A_171 = arith.constant 0 : i32
      %dma_wait3A_172 = tpu.memref_slice %arg3[%dma_wait3A_171] : memref<320000xi32, #tpu.memory_space<hbm>> -> memref<80xi32, #tpu.memory_space<hbm>>
      tpu.wait_dma2 semaphore(%arg25 : memref<!tpu.dma_semaphore, #tpu.memory_space<semaphore_mem>>) src(%dma_wait3A_172 : memref<80xi32, #tpu.memory_space<hbm>>) dst(%arg15 : memref<80xi32, #tpu.memory_space<vmem>>)
      %add3A_173 = arith.constant 1 : i32
      %add3A_174 = arith.addi %mul3A_146, %add3A_173 : i32
      %mul3A_175 = arith.constant 400 : i32
      %mul3A_176 = arith.muli %add3A_174, %mul3A_175 : i32
      %add3A_177 = arith.addi %mul3A_4, %mul3A_176 : i32
      %dma_start3A_178 = arith.constant 0 : i32
      %dma_start3A_179 = tpu.memref_slice %arg2[%add3A_177, %dma_start3A_178] : memref<320000x128xf32, #tpu.memory_space<hbm>> -> memref<400x128xf32, #tpu.memory_space<hbm>>
      %dma_start3A_180 = arith.constant 0 : i32
      %dma_start3A_181 = tpu.memref_slice %arg2[%add3A_177, %dma_start3A_180] : memref<320000x128xf32, #tpu.memory_space<hbm>> -> memref<400x128xf32, #tpu.memory_space<hbm>>
      tpu.enqueue_dma source(%dma_start3A_181 : memref<400x128xf32, #tpu.memory_space<hbm>>) target(%arg10 : memref<400x128xf32, #tpu.memory_space<vmem>>) target_semaphore(%arg26 : memref<!tpu.dma_semaphore, #tpu.memory_space<semaphore_mem>>)
      %add3A_182 = arith.constant 0 : i32
      %add3A_183 = arith.addi %add3A_177, %add3A_182 : i32
      %dma_start3A_184 = tpu.memref_slice %arg3[%add3A_183] : memref<320000xi32, #tpu.memory_space<hbm>> -> memref<80xi32, #tpu.memory_space<hbm>>
      %dma_start3A_185 = tpu.memref_slice %arg3[%add3A_183] : memref<320000xi32, #tpu.memory_space<hbm>> -> memref<80xi32, #tpu.memory_space<hbm>>
      tpu.enqueue_dma source(%dma_start3A_185 : memref<80xi32, #tpu.memory_space<hbm>>) target(%arg16 : memref<80xi32, #tpu.memory_space<vmem>>) target_semaphore(%arg26 : memref<!tpu.dma_semaphore, #tpu.memory_space<semaphore_mem>>)
      %add3A_186 = arith.constant 80 : i32
      %add3A_187 = arith.addi %add3A_177, %add3A_186 : i32
      %dma_start3A_188 = tpu.memref_slice %arg3[%add3A_187] : memref<320000xi32, #tpu.memory_space<hbm>> -> memref<80xi32, #tpu.memory_space<hbm>>
      %dma_start3A_189 = tpu.memref_slice %arg3[%add3A_187] : memref<320000xi32, #tpu.memory_space<hbm>> -> memref<80xi32, #tpu.memory_space<hbm>>
      tpu.enqueue_dma source(%dma_start3A_189 : memref<80xi32, #tpu.memory_space<hbm>>) target(%arg17 : memref<80xi32, #tpu.memory_space<vmem>>) target_semaphore(%arg26 : memref<!tpu.dma_semaphore, #tpu.memory_space<semaphore_mem>>)
      %add3A_190 = arith.constant 160 : i32
      %add3A_191 = arith.addi %add3A_177, %add3A_190 : i32
      %dma_start3A_192 = tpu.memref_slice %arg3[%add3A_191] : memref<320000xi32, #tpu.memory_space<hbm>> -> memref<80xi32, #tpu.memory_space<hbm>>
      %dma_start3A_193 = tpu.memref_slice %arg3[%add3A_191] : memref<320000xi32, #tpu.memory_space<hbm>> -> memref<80xi32, #tpu.memory_space<hbm>>
      tpu.enqueue_dma source(%dma_start3A_193 : memref<80xi32, #tpu.memory_space<hbm>>) target(%arg18 : memref<80xi32, #tpu.memory_space<vmem>>) target_semaphore(%arg26 : memref<!tpu.dma_semaphore, #tpu.memory_space<semaphore_mem>>)
      %add3A_194 = arith.constant 240 : i32
      %add3A_195 = arith.addi %add3A_177, %add3A_194 : i32
      %dma_start3A_196 = tpu.memref_slice %arg3[%add3A_195] : memref<320000xi32, #tpu.memory_space<hbm>> -> memref<80xi32, #tpu.memory_space<hbm>>
      %dma_start3A_197 = tpu.memref_slice %arg3[%add3A_195] : memref<320000xi32, #tpu.memory_space<hbm>> -> memref<80xi32, #tpu.memory_space<hbm>>
      tpu.enqueue_dma source(%dma_start3A_197 : memref<80xi32, #tpu.memory_space<hbm>>) target(%arg19 : memref<80xi32, #tpu.memory_space<vmem>>) target_semaphore(%arg26 : memref<!tpu.dma_semaphore, #tpu.memory_space<semaphore_mem>>)
      %add3A_198 = arith.constant 320 : i32
      %add3A_199 = arith.addi %add3A_177, %add3A_198 : i32
      %dma_start3A_200 = tpu.memref_slice %arg3[%add3A_199] : memref<320000xi32, #tpu.memory_space<hbm>> -> memref<80xi32, #tpu.memory_space<hbm>>
      %dma_start3A_201 = tpu.memref_slice %arg3[%add3A_199] : memref<320000xi32, #tpu.memory_space<hbm>> -> memref<80xi32, #tpu.memory_space<hbm>>
      tpu.enqueue_dma source(%dma_start3A_201 : memref<80xi32, #tpu.memory_space<hbm>>) target(%arg20 : memref<80xi32, #tpu.memory_space<vmem>>) target_semaphore(%arg26 : memref<!tpu.dma_semaphore, #tpu.memory_space<semaphore_mem>>)
      %dma_start3A_202 = arith.constant 0 : i32
      %dma_start3A_203 = arith.constant 0 : i32
      %dma_start3A_204 = tpu.memref_slice %arg9[%dma_start3A_202, %dma_start3A_203] : memref<400x128xf32, #tpu.memory_space<vmem>> -> memref<80x128xf32, #tpu.memory_space<vmem>>
      %dma_start3A_205 = arith.constant 0 : i32
      %dma_start3A_206 = arith.constant 0 : i32
      %dma_start3A_207 = tpu.memref_slice %arg23[%dma_start3A_205, %dma_start3A_206] : memref<1024x128xf32, #tpu.memory_space<vmem_shared>> -> memref<1024x128xf32, #tpu.memory_space<vmem_shared>>
      tpu.enqueue_indirect_dma source(%dma_start3A_204 : memref<80x128xf32, #tpu.memory_space<vmem>>) target(%dma_start3A_207 : memref<1024x128xf32, #tpu.memory_space<vmem_shared>>) offsets(%arg11 : memref<80xi32, #tpu.memory_space<vmem>>) semaphore(%arg27 : memref<!tpu.dma_semaphore, #tpu.memory_space<semaphore_mem>>) {add = true}
      %dma_start3A_208 = arith.constant 0 : i32
      %dma_start3A_209 = tpu.memref_slice %arg24[%dma_start3A_208] : memref<1024xf32, #tpu.memory_space<vmem_shared>> -> memref<1024xf32, #tpu.memory_space<vmem_shared>>
      tpu.enqueue_indirect_dma source(%arg21 : memref<80xf32, #tpu.memory_space<vmem>>) target(%dma_start3A_209 : memref<1024xf32, #tpu.memory_space<vmem_shared>>) offsets(%arg11 : memref<80xi32, #tpu.memory_space<vmem>>) semaphore(%arg27 : memref<!tpu.dma_semaphore, #tpu.memory_space<semaphore_mem>>) {add = true}
      %dma_start3A_210 = arith.constant 80 : i32
      %dma_start3A_211 = arith.constant 0 : i32
      %dma_start3A_212 = tpu.memref_slice %arg9[%dma_start3A_210, %dma_start3A_211] : memref<400x128xf32, #tpu.memory_space<vmem>> -> memref<80x128xf32, #tpu.memory_space<vmem>>
      %dma_start3A_213 = arith.constant 0 : i32
      %dma_start3A_214 = arith.constant 0 : i32
      %dma_start3A_215 = tpu.memref_slice %arg23[%dma_start3A_213, %dma_start3A_214] : memref<1024x128xf32, #tpu.memory_space<vmem_shared>> -> memref<1024x128xf32, #tpu.memory_space<vmem_shared>>
      tpu.enqueue_indirect_dma source(%dma_start3A_212 : memref<80x128xf32, #tpu.memory_space<vmem>>) target(%dma_start3A_215 : memref<1024x128xf32, #tpu.memory_space<vmem_shared>>) offsets(%arg12 : memref<80xi32, #tpu.memory_space<vmem>>) semaphore(%arg27 : memref<!tpu.dma_semaphore, #tpu.memory_space<semaphore_mem>>) {add = true}
      %dma_start3A_216 = arith.constant 0 : i32
      %dma_start3A_217 = tpu.memref_slice %arg24[%dma_start3A_216] : memref<1024xf32, #tpu.memory_space<vmem_shared>> -> memref<1024xf32, #tpu.memory_space<vmem_shared>>
      tpu.enqueue_indirect_dma source(%arg21 : memref<80xf32, #tpu.memory_space<vmem>>) target(%dma_start3A_217 : memref<1024xf32, #tpu.memory_space<vmem_shared>>) offsets(%arg12 : memref<80xi32, #tpu.memory_space<vmem>>) semaphore(%arg27 : memref<!tpu.dma_semaphore, #tpu.memory_space<semaphore_mem>>) {add = true}
      %dma_start3A_218 = arith.constant 160 : i32
      %dma_start3A_219 = arith.constant 0 : i32
      %dma_start3A_220 = tpu.memref_slice %arg9[%dma_start3A_218, %dma_start3A_219] : memref<400x128xf32, #tpu.memory_space<vmem>> -> memref<80x128xf32, #tpu.memory_space<vmem>>
      %dma_start3A_221 = arith.constant 0 : i32
      %dma_start3A_222 = arith.constant 0 : i32
      %dma_start3A_223 = tpu.memref_slice %arg23[%dma_start3A_221, %dma_start3A_222] : memref<1024x128xf32, #tpu.memory_space<vmem_shared>> -> memref<1024x128xf32, #tpu.memory_space<vmem_shared>>
      tpu.enqueue_indirect_dma source(%dma_start3A_220 : memref<80x128xf32, #tpu.memory_space<vmem>>) target(%dma_start3A_223 : memref<1024x128xf32, #tpu.memory_space<vmem_shared>>) offsets(%arg13 : memref<80xi32, #tpu.memory_space<vmem>>) semaphore(%arg27 : memref<!tpu.dma_semaphore, #tpu.memory_space<semaphore_mem>>) {add = true}
      %dma_start3A_224 = arith.constant 0 : i32
      %dma_start3A_225 = tpu.memref_slice %arg24[%dma_start3A_224] : memref<1024xf32, #tpu.memory_space<vmem_shared>> -> memref<1024xf32, #tpu.memory_space<vmem_shared>>
      tpu.enqueue_indirect_dma source(%arg21 : memref<80xf32, #tpu.memory_space<vmem>>) target(%dma_start3A_225 : memref<1024xf32, #tpu.memory_space<vmem_shared>>) offsets(%arg13 : memref<80xi32, #tpu.memory_space<vmem>>) semaphore(%arg27 : memref<!tpu.dma_semaphore, #tpu.memory_space<semaphore_mem>>) {add = true}
      %dma_start3A_226 = arith.constant 240 : i32
      %dma_start3A_227 = arith.constant 0 : i32
      %dma_start3A_228 = tpu.memref_slice %arg9[%dma_start3A_226, %dma_start3A_227] : memref<400x128xf32, #tpu.memory_space<vmem>> -> memref<80x128xf32, #tpu.memory_space<vmem>>
      %dma_start3A_229 = arith.constant 0 : i32
      %dma_start3A_230 = arith.constant 0 : i32
      %dma_start3A_231 = tpu.memref_slice %arg23[%dma_start3A_229, %dma_start3A_230] : memref<1024x128xf32, #tpu.memory_space<vmem_shared>> -> memref<1024x128xf32, #tpu.memory_space<vmem_shared>>
      tpu.enqueue_indirect_dma source(%dma_start3A_228 : memref<80x128xf32, #tpu.memory_space<vmem>>) target(%dma_start3A_231 : memref<1024x128xf32, #tpu.memory_space<vmem_shared>>) offsets(%arg14 : memref<80xi32, #tpu.memory_space<vmem>>) semaphore(%arg27 : memref<!tpu.dma_semaphore, #tpu.memory_space<semaphore_mem>>) {add = true}
      %dma_start3A_232 = arith.constant 0 : i32
      %dma_start3A_233 = tpu.memref_slice %arg24[%dma_start3A_232] : memref<1024xf32, #tpu.memory_space<vmem_shared>> -> memref<1024xf32, #tpu.memory_space<vmem_shared>>
      tpu.enqueue_indirect_dma source(%arg21 : memref<80xf32, #tpu.memory_space<vmem>>) target(%dma_start3A_233 : memref<1024xf32, #tpu.memory_space<vmem_shared>>) offsets(%arg14 : memref<80xi32, #tpu.memory_space<vmem>>) semaphore(%arg27 : memref<!tpu.dma_semaphore, #tpu.memory_space<semaphore_mem>>) {add = true}
      %dma_start3A_234 = arith.constant 320 : i32
      %dma_start3A_235 = arith.constant 0 : i32
      %dma_start3A_236 = tpu.memref_slice %arg9[%dma_start3A_234, %dma_start3A_235] : memref<400x128xf32, #tpu.memory_space<vmem>> -> memref<80x128xf32, #tpu.memory_space<vmem>>
      %dma_start3A_237 = arith.constant 0 : i32
      %dma_start3A_238 = arith.constant 0 : i32
      %dma_start3A_239 = tpu.memref_slice %arg23[%dma_start3A_237, %dma_start3A_238] : memref<1024x128xf32, #tpu.memory_space<vmem_shared>> -> memref<1024x128xf32, #tpu.memory_space<vmem_shared>>
      tpu.enqueue_indirect_dma source(%dma_start3A_236 : memref<80x128xf32, #tpu.memory_space<vmem>>) target(%dma_start3A_239 : memref<1024x128xf32, #tpu.memory_space<vmem_shared>>) offsets(%arg15 : memref<80xi32, #tpu.memory_space<vmem>>) semaphore(%arg27 : memref<!tpu.dma_semaphore, #tpu.memory_space<semaphore_mem>>) {add = true}
      %dma_start3A_240 = arith.constant 0 : i32
      %dma_start3A_241 = tpu.memref_slice %arg24[%dma_start3A_240] : memref<1024xf32, #tpu.memory_space<vmem_shared>> -> memref<1024xf32, #tpu.memory_space<vmem_shared>>
      tpu.enqueue_indirect_dma source(%arg21 : memref<80xf32, #tpu.memory_space<vmem>>) target(%dma_start3A_241 : memref<1024xf32, #tpu.memory_space<vmem_shared>>) offsets(%arg15 : memref<80xi32, #tpu.memory_space<vmem>>) semaphore(%arg27 : memref<!tpu.dma_semaphore, #tpu.memory_space<semaphore_mem>>) {add = true}
      %dma_wait3A_242 = arith.constant 0 : i32
      %dma_wait3A_243 = arith.constant 0 : i32
      %dma_wait3A_244 = tpu.memref_slice %arg2[%dma_wait3A_242, %dma_wait3A_243] : memref<320000x128xf32, #tpu.memory_space<hbm>> -> memref<400x128xf32, #tpu.memory_space<hbm>>
      %dma_wait3A_245 = arith.constant 0 : i32
      %dma_wait3A_246 = arith.constant 0 : i32
      %dma_wait3A_247 = tpu.memref_slice %arg2[%dma_wait3A_245, %dma_wait3A_246] : memref<320000x128xf32, #tpu.memory_space<hbm>> -> memref<400x128xf32, #tpu.memory_space<hbm>>
      tpu.wait_dma2 semaphore(%arg26 : memref<!tpu.dma_semaphore, #tpu.memory_space<semaphore_mem>>) src(%dma_wait3A_247 : memref<400x128xf32, #tpu.memory_space<hbm>>) dst(%arg10 : memref<400x128xf32, #tpu.memory_space<vmem>>)
      %dma_wait3A_248 = arith.constant 0 : i32
      %dma_wait3A_249 = tpu.memref_slice %arg3[%dma_wait3A_248] : memref<320000xi32, #tpu.memory_space<hbm>> -> memref<80xi32, #tpu.memory_space<hbm>>
      %dma_wait3A_250 = arith.constant 0 : i32
      %dma_wait3A_251 = tpu.memref_slice %arg3[%dma_wait3A_250] : memref<320000xi32, #tpu.memory_space<hbm>> -> memref<80xi32, #tpu.memory_space<hbm>>
      tpu.wait_dma2 semaphore(%arg26 : memref<!tpu.dma_semaphore, #tpu.memory_space<semaphore_mem>>) src(%dma_wait3A_251 : memref<80xi32, #tpu.memory_space<hbm>>) dst(%arg16 : memref<80xi32, #tpu.memory_space<vmem>>)
      %dma_wait3A_252 = arith.constant 0 : i32
      %dma_wait3A_253 = tpu.memref_slice %arg3[%dma_wait3A_252] : memref<320000xi32, #tpu.memory_space<hbm>> -> memref<80xi32, #tpu.memory_space<hbm>>
      %dma_wait3A_254 = arith.constant 0 : i32
      %dma_wait3A_255 = tpu.memref_slice %arg3[%dma_wait3A_254] : memref<320000xi32, #tpu.memory_space<hbm>> -> memref<80xi32, #tpu.memory_space<hbm>>
      tpu.wait_dma2 semaphore(%arg26 : memref<!tpu.dma_semaphore, #tpu.memory_space<semaphore_mem>>) src(%dma_wait3A_255 : memref<80xi32, #tpu.memory_space<hbm>>) dst(%arg17 : memref<80xi32, #tpu.memory_space<vmem>>)
      %dma_wait3A_256 = arith.constant 0 : i32
      %dma_wait3A_257 = tpu.memref_slice %arg3[%dma_wait3A_256] : memref<320000xi32, #tpu.memory_space<hbm>> -> memref<80xi32, #tpu.memory_space<hbm>>
      %dma_wait3A_258 = arith.constant 0 : i32
      %dma_wait3A_259 = tpu.memref_slice %arg3[%dma_wait3A_258] : memref<320000xi32, #tpu.memory_space<hbm>> -> memref<80xi32, #tpu.memory_space<hbm>>
      tpu.wait_dma2 semaphore(%arg26 : memref<!tpu.dma_semaphore, #tpu.memory_space<semaphore_mem>>) src(%dma_wait3A_259 : memref<80xi32, #tpu.memory_space<hbm>>) dst(%arg18 : memref<80xi32, #tpu.memory_space<vmem>>)
      %dma_wait3A_260 = arith.constant 0 : i32
      %dma_wait3A_261 = tpu.memref_slice %arg3[%dma_wait3A_260] : memref<320000xi32, #tpu.memory_space<hbm>> -> memref<80xi32, #tpu.memory_space<hbm>>
      %dma_wait3A_262 = arith.constant 0 : i32
      %dma_wait3A_263 = tpu.memref_slice %arg3[%dma_wait3A_262] : memref<320000xi32, #tpu.memory_space<hbm>> -> memref<80xi32, #tpu.memory_space<hbm>>
      tpu.wait_dma2 semaphore(%arg26 : memref<!tpu.dma_semaphore, #tpu.memory_space<semaphore_mem>>) src(%dma_wait3A_263 : memref<80xi32, #tpu.memory_space<hbm>>) dst(%arg19 : memref<80xi32, #tpu.memory_space<vmem>>)
      %dma_wait3A_264 = arith.constant 0 : i32
      %dma_wait3A_265 = tpu.memref_slice %arg3[%dma_wait3A_264] : memref<320000xi32, #tpu.memory_space<hbm>> -> memref<80xi32, #tpu.memory_space<hbm>>
      %dma_wait3A_266 = arith.constant 0 : i32
      %dma_wait3A_267 = tpu.memref_slice %arg3[%dma_wait3A_266] : memref<320000xi32, #tpu.memory_space<hbm>> -> memref<80xi32, #tpu.memory_space<hbm>>
      tpu.wait_dma2 semaphore(%arg26 : memref<!tpu.dma_semaphore, #tpu.memory_space<semaphore_mem>>) src(%dma_wait3A_267 : memref<80xi32, #tpu.memory_space<hbm>>) dst(%arg20 : memref<80xi32, #tpu.memory_space<vmem>>)
      %dma_wait3A_268 = arith.constant 0 : i32
      %dma_wait3A_269 = arith.constant 0 : i32
      %dma_wait3A_270 = tpu.memref_slice %arg9[%dma_wait3A_268, %dma_wait3A_269] : memref<400x128xf32, #tpu.memory_space<vmem>> -> memref<80x128xf32, #tpu.memory_space<vmem>>
      %dma_wait3A_271 = arith.constant 0 : i32
      %dma_wait3A_272 = arith.constant 0 : i32
      %dma_wait3A_273 = tpu.memref_slice %arg23[%dma_wait3A_271, %dma_wait3A_272] : memref<1024x128xf32, #tpu.memory_space<vmem_shared>> -> memref<1024x128xf32, #tpu.memory_space<vmem_shared>>
      tpu.wait_indirect_dma semaphore(%arg27 : memref<!tpu.dma_semaphore, #tpu.memory_space<semaphore_mem>>) src(%dma_wait3A_270 : memref<80x128xf32, #tpu.memory_space<vmem>>) dst(%dma_wait3A_273 : memref<1024x128xf32, #tpu.memory_space<vmem_shared>>)
      %dma_wait3A_274 = arith.constant 0 : i32
      %dma_wait3A_275 = tpu.memref_slice %arg24[%dma_wait3A_274] : memref<1024xf32, #tpu.memory_space<vmem_shared>> -> memref<1024xf32, #tpu.memory_space<vmem_shared>>
      tpu.wait_indirect_dma semaphore(%arg27 : memref<!tpu.dma_semaphore, #tpu.memory_space<semaphore_mem>>) src(%arg21 : memref<80xf32, #tpu.memory_space<vmem>>) dst(%dma_wait3A_275 : memref<1024xf32, #tpu.memory_space<vmem_shared>>)
      %dma_wait3A_276 = arith.constant 80 : i32
      %dma_wait3A_277 = arith.constant 0 : i32
      %dma_wait3A_278 = tpu.memref_slice %arg9[%dma_wait3A_276, %dma_wait3A_277] : memref<400x128xf32, #tpu.memory_space<vmem>> -> memref<80x128xf32, #tpu.memory_space<vmem>>
      %dma_wait3A_279 = arith.constant 0 : i32
      %dma_wait3A_280 = arith.constant 0 : i32
      %dma_wait3A_281 = tpu.memref_slice %arg23[%dma_wait3A_279, %dma_wait3A_280] : memref<1024x128xf32, #tpu.memory_space<vmem_shared>> -> memref<1024x128xf32, #tpu.memory_space<vmem_shared>>
      tpu.wait_indirect_dma semaphore(%arg27 : memref<!tpu.dma_semaphore, #tpu.memory_space<semaphore_mem>>) src(%dma_wait3A_278 : memref<80x128xf32, #tpu.memory_space<vmem>>) dst(%dma_wait3A_281 : memref<1024x128xf32, #tpu.memory_space<vmem_shared>>)
      %dma_wait3A_282 = arith.constant 0 : i32
      %dma_wait3A_283 = tpu.memref_slice %arg24[%dma_wait3A_282] : memref<1024xf32, #tpu.memory_space<vmem_shared>> -> memref<1024xf32, #tpu.memory_space<vmem_shared>>
      tpu.wait_indirect_dma semaphore(%arg27 : memref<!tpu.dma_semaphore, #tpu.memory_space<semaphore_mem>>) src(%arg21 : memref<80xf32, #tpu.memory_space<vmem>>) dst(%dma_wait3A_283 : memref<1024xf32, #tpu.memory_space<vmem_shared>>)
      %dma_wait3A_284 = arith.constant 160 : i32
      %dma_wait3A_285 = arith.constant 0 : i32
      %dma_wait3A_286 = tpu.memref_slice %arg9[%dma_wait3A_284, %dma_wait3A_285] : memref<400x128xf32, #tpu.memory_space<vmem>> -> memref<80x128xf32, #tpu.memory_space<vmem>>
      %dma_wait3A_287 = arith.constant 0 : i32
      %dma_wait3A_288 = arith.constant 0 : i32
      %dma_wait3A_289 = tpu.memref_slice %arg23[%dma_wait3A_287, %dma_wait3A_288] : memref<1024x128xf32, #tpu.memory_space<vmem_shared>> -> memref<1024x128xf32, #tpu.memory_space<vmem_shared>>
      tpu.wait_indirect_dma semaphore(%arg27 : memref<!tpu.dma_semaphore, #tpu.memory_space<semaphore_mem>>) src(%dma_wait3A_286 : memref<80x128xf32, #tpu.memory_space<vmem>>) dst(%dma_wait3A_289 : memref<1024x128xf32, #tpu.memory_space<vmem_shared>>)
      %dma_wait3A_290 = arith.constant 0 : i32
      %dma_wait3A_291 = tpu.memref_slice %arg24[%dma_wait3A_290] : memref<1024xf32, #tpu.memory_space<vmem_shared>> -> memref<1024xf32, #tpu.memory_space<vmem_shared>>
      tpu.wait_indirect_dma semaphore(%arg27 : memref<!tpu.dma_semaphore, #tpu.memory_space<semaphore_mem>>) src(%arg21 : memref<80xf32, #tpu.memory_space<vmem>>) dst(%dma_wait3A_291 : memref<1024xf32, #tpu.memory_space<vmem_shared>>)
      %dma_wait3A_292 = arith.constant 240 : i32
      %dma_wait3A_293 = arith.constant 0 : i32
      %dma_wait3A_294 = tpu.memref_slice %arg9[%dma_wait3A_292, %dma_wait3A_293] : memref<400x128xf32, #tpu.memory_space<vmem>> -> memref<80x128xf32, #tpu.memory_space<vmem>>
      %dma_wait3A_295 = arith.constant 0 : i32
      %dma_wait3A_296 = arith.constant 0 : i32
      %dma_wait3A_297 = tpu.memref_slice %arg23[%dma_wait3A_295, %dma_wait3A_296] : memref<1024x128xf32, #tpu.memory_space<vmem_shared>> -> memref<1024x128xf32, #tpu.memory_space<vmem_shared>>
      tpu.wait_indirect_dma semaphore(%arg27 : memref<!tpu.dma_semaphore, #tpu.memory_space<semaphore_mem>>) src(%dma_wait3A_294 : memref<80x128xf32, #tpu.memory_space<vmem>>) dst(%dma_wait3A_297 : memref<1024x128xf32, #tpu.memory_space<vmem_shared>>)
      %dma_wait3A_298 = arith.constant 0 : i32
      %dma_wait3A_299 = tpu.memref_slice %arg24[%dma_wait3A_298] : memref<1024xf32, #tpu.memory_space<vmem_shared>> -> memref<1024xf32, #tpu.memory_space<vmem_shared>>
      tpu.wait_indirect_dma semaphore(%arg27 : memref<!tpu.dma_semaphore, #tpu.memory_space<semaphore_mem>>) src(%arg21 : memref<80xf32, #tpu.memory_space<vmem>>) dst(%dma_wait3A_299 : memref<1024xf32, #tpu.memory_space<vmem_shared>>)
      %dma_wait3A_300 = arith.constant 320 : i32
      %dma_wait3A_301 = arith.constant 0 : i32
      %dma_wait3A_302 = tpu.memref_slice %arg9[%dma_wait3A_300, %dma_wait3A_301] : memref<400x128xf32, #tpu.memory_space<vmem>> -> memref<80x128xf32, #tpu.memory_space<vmem>>
      %dma_wait3A_303 = arith.constant 0 : i32
      %dma_wait3A_304 = arith.constant 0 : i32
      %dma_wait3A_305 = tpu.memref_slice %arg23[%dma_wait3A_303, %dma_wait3A_304] : memref<1024x128xf32, #tpu.memory_space<vmem_shared>> -> memref<1024x128xf32, #tpu.memory_space<vmem_shared>>
      tpu.wait_indirect_dma semaphore(%arg27 : memref<!tpu.dma_semaphore, #tpu.memory_space<semaphore_mem>>) src(%dma_wait3A_302 : memref<80x128xf32, #tpu.memory_space<vmem>>) dst(%dma_wait3A_305 : memref<1024x128xf32, #tpu.memory_space<vmem_shared>>)
      %dma_wait3A_306 = arith.constant 0 : i32
      %dma_wait3A_307 = tpu.memref_slice %arg24[%dma_wait3A_306] : memref<1024xf32, #tpu.memory_space<vmem_shared>> -> memref<1024xf32, #tpu.memory_space<vmem_shared>>
      tpu.wait_indirect_dma semaphore(%arg27 : memref<!tpu.dma_semaphore, #tpu.memory_space<semaphore_mem>>) src(%arg21 : memref<80xf32, #tpu.memory_space<vmem>>) dst(%dma_wait3A_307 : memref<1024xf32, #tpu.memory_space<vmem_shared>>)
      %add3A_308 = arith.constant 2 : i32
      %add3A_309 = arith.addi %mul3A_146, %add3A_308 : i32
      %mul3A_310 = arith.constant 400 : i32
      %mul3A_311 = arith.muli %add3A_309, %mul3A_310 : i32
      %add3A_312 = arith.addi %mul3A_4, %mul3A_311 : i32
      %dma_start3A_313 = arith.constant 0 : i32
      %dma_start3A_314 = tpu.memref_slice %arg2[%add3A_312, %dma_start3A_313] : memref<320000x128xf32, #tpu.memory_space<hbm>> -> memref<400x128xf32, #tpu.memory_space<hbm>>
      %dma_start3A_315 = arith.constant 0 : i32
      %dma_start3A_316 = tpu.memref_slice %arg2[%add3A_312, %dma_start3A_315] : memref<320000x128xf32, #tpu.memory_space<hbm>> -> memref<400x128xf32, #tpu.memory_space<hbm>>
      tpu.enqueue_dma source(%dma_start3A_316 : memref<400x128xf32, #tpu.memory_space<hbm>>) target(%arg9 : memref<400x128xf32, #tpu.memory_space<vmem>>) target_semaphore(%arg25 : memref<!tpu.dma_semaphore, #tpu.memory_space<semaphore_mem>>)
      %add3A_317 = arith.constant 0 : i32
      %add3A_318 = arith.addi %add3A_312, %add3A_317 : i32
      %dma_start3A_319 = tpu.memref_slice %arg3[%add3A_318] : memref<320000xi32, #tpu.memory_space<hbm>> -> memref<80xi32, #tpu.memory_space<hbm>>
      %dma_start3A_320 = tpu.memref_slice %arg3[%add3A_318] : memref<320000xi32, #tpu.memory_space<hbm>> -> memref<80xi32, #tpu.memory_space<hbm>>
      tpu.enqueue_dma source(%dma_start3A_320 : memref<80xi32, #tpu.memory_space<hbm>>) target(%arg11 : memref<80xi32, #tpu.memory_space<vmem>>) target_semaphore(%arg25 : memref<!tpu.dma_semaphore, #tpu.memory_space<semaphore_mem>>)
      %add3A_321 = arith.constant 80 : i32
      %add3A_322 = arith.addi %add3A_312, %add3A_321 : i32
      %dma_start3A_323 = tpu.memref_slice %arg3[%add3A_322] : memref<320000xi32, #tpu.memory_space<hbm>> -> memref<80xi32, #tpu.memory_space<hbm>>
      %dma_start3A_324 = tpu.memref_slice %arg3[%add3A_322] : memref<320000xi32, #tpu.memory_space<hbm>> -> memref<80xi32, #tpu.memory_space<hbm>>
      tpu.enqueue_dma source(%dma_start3A_324 : memref<80xi32, #tpu.memory_space<hbm>>) target(%arg12 : memref<80xi32, #tpu.memory_space<vmem>>) target_semaphore(%arg25 : memref<!tpu.dma_semaphore, #tpu.memory_space<semaphore_mem>>)
      %add3A_325 = arith.constant 160 : i32
      %add3A_326 = arith.addi %add3A_312, %add3A_325 : i32
      %dma_start3A_327 = tpu.memref_slice %arg3[%add3A_326] : memref<320000xi32, #tpu.memory_space<hbm>> -> memref<80xi32, #tpu.memory_space<hbm>>
      %dma_start3A_328 = tpu.memref_slice %arg3[%add3A_326] : memref<320000xi32, #tpu.memory_space<hbm>> -> memref<80xi32, #tpu.memory_space<hbm>>
      tpu.enqueue_dma source(%dma_start3A_328 : memref<80xi32, #tpu.memory_space<hbm>>) target(%arg13 : memref<80xi32, #tpu.memory_space<vmem>>) target_semaphore(%arg25 : memref<!tpu.dma_semaphore, #tpu.memory_space<semaphore_mem>>)
      %add3A_329 = arith.constant 240 : i32
      %add3A_330 = arith.addi %add3A_312, %add3A_329 : i32
      %dma_start3A_331 = tpu.memref_slice %arg3[%add3A_330] : memref<320000xi32, #tpu.memory_space<hbm>> -> memref<80xi32, #tpu.memory_space<hbm>>
      %dma_start3A_332 = tpu.memref_slice %arg3[%add3A_330] : memref<320000xi32, #tpu.memory_space<hbm>> -> memref<80xi32, #tpu.memory_space<hbm>>
      tpu.enqueue_dma source(%dma_start3A_332 : memref<80xi32, #tpu.memory_space<hbm>>) target(%arg14 : memref<80xi32, #tpu.memory_space<vmem>>) target_semaphore(%arg25 : memref<!tpu.dma_semaphore, #tpu.memory_space<semaphore_mem>>)
      %add3A_333 = arith.constant 320 : i32
      %add3A_334 = arith.addi %add3A_312, %add3A_333 : i32
      %dma_start3A_335 = tpu.memref_slice %arg3[%add3A_334] : memref<320000xi32, #tpu.memory_space<hbm>> -> memref<80xi32, #tpu.memory_space<hbm>>
      %dma_start3A_336 = tpu.memref_slice %arg3[%add3A_334] : memref<320000xi32, #tpu.memory_space<hbm>> -> memref<80xi32, #tpu.memory_space<hbm>>
      tpu.enqueue_dma source(%dma_start3A_336 : memref<80xi32, #tpu.memory_space<hbm>>) target(%arg15 : memref<80xi32, #tpu.memory_space<vmem>>) target_semaphore(%arg25 : memref<!tpu.dma_semaphore, #tpu.memory_space<semaphore_mem>>)
      %dma_start3A_337 = arith.constant 0 : i32
      %dma_start3A_338 = arith.constant 0 : i32
      %dma_start3A_339 = tpu.memref_slice %arg10[%dma_start3A_337, %dma_start3A_338] : memref<400x128xf32, #tpu.memory_space<vmem>> -> memref<80x128xf32, #tpu.memory_space<vmem>>
      %dma_start3A_340 = arith.constant 0 : i32
      %dma_start3A_341 = arith.constant 0 : i32
      %dma_start3A_342 = tpu.memref_slice %arg23[%dma_start3A_340, %dma_start3A_341] : memref<1024x128xf32, #tpu.memory_space<vmem_shared>> -> memref<1024x128xf32, #tpu.memory_space<vmem_shared>>
      tpu.enqueue_indirect_dma source(%dma_start3A_339 : memref<80x128xf32, #tpu.memory_space<vmem>>) target(%dma_start3A_342 : memref<1024x128xf32, #tpu.memory_space<vmem_shared>>) offsets(%arg16 : memref<80xi32, #tpu.memory_space<vmem>>) semaphore(%arg28 : memref<!tpu.dma_semaphore, #tpu.memory_space<semaphore_mem>>) {add = true}
      %dma_start3A_343 = arith.constant 0 : i32
      %dma_start3A_344 = tpu.memref_slice %arg24[%dma_start3A_343] : memref<1024xf32, #tpu.memory_space<vmem_shared>> -> memref<1024xf32, #tpu.memory_space<vmem_shared>>
      tpu.enqueue_indirect_dma source(%arg21 : memref<80xf32, #tpu.memory_space<vmem>>) target(%dma_start3A_344 : memref<1024xf32, #tpu.memory_space<vmem_shared>>) offsets(%arg16 : memref<80xi32, #tpu.memory_space<vmem>>) semaphore(%arg28 : memref<!tpu.dma_semaphore, #tpu.memory_space<semaphore_mem>>) {add = true}
      %dma_start3A_345 = arith.constant 80 : i32
      %dma_start3A_346 = arith.constant 0 : i32
      %dma_start3A_347 = tpu.memref_slice %arg10[%dma_start3A_345, %dma_start3A_346] : memref<400x128xf32, #tpu.memory_space<vmem>> -> memref<80x128xf32, #tpu.memory_space<vmem>>
      %dma_start3A_348 = arith.constant 0 : i32
      %dma_start3A_349 = arith.constant 0 : i32
      %dma_start3A_350 = tpu.memref_slice %arg23[%dma_start3A_348, %dma_start3A_349] : memref<1024x128xf32, #tpu.memory_space<vmem_shared>> -> memref<1024x128xf32, #tpu.memory_space<vmem_shared>>
      tpu.enqueue_indirect_dma source(%dma_start3A_347 : memref<80x128xf32, #tpu.memory_space<vmem>>) target(%dma_start3A_350 : memref<1024x128xf32, #tpu.memory_space<vmem_shared>>) offsets(%arg17 : memref<80xi32, #tpu.memory_space<vmem>>) semaphore(%arg28 : memref<!tpu.dma_semaphore, #tpu.memory_space<semaphore_mem>>) {add = true}
      %dma_start3A_351 = arith.constant 0 : i32
      %dma_start3A_352 = tpu.memref_slice %arg24[%dma_start3A_351] : memref<1024xf32, #tpu.memory_space<vmem_shared>> -> memref<1024xf32, #tpu.memory_space<vmem_shared>>
      tpu.enqueue_indirect_dma source(%arg21 : memref<80xf32, #tpu.memory_space<vmem>>) target(%dma_start3A_352 : memref<1024xf32, #tpu.memory_space<vmem_shared>>) offsets(%arg17 : memref<80xi32, #tpu.memory_space<vmem>>) semaphore(%arg28 : memref<!tpu.dma_semaphore, #tpu.memory_space<semaphore_mem>>) {add = true}
      %dma_start3A_353 = arith.constant 160 : i32
      %dma_start3A_354 = arith.constant 0 : i32
      %dma_start3A_355 = tpu.memref_slice %arg10[%dma_start3A_353, %dma_start3A_354] : memref<400x128xf32, #tpu.memory_space<vmem>> -> memref<80x128xf32, #tpu.memory_space<vmem>>
      %dma_start3A_356 = arith.constant 0 : i32
      %dma_start3A_357 = arith.constant 0 : i32
      %dma_start3A_358 = tpu.memref_slice %arg23[%dma_start3A_356, %dma_start3A_357] : memref<1024x128xf32, #tpu.memory_space<vmem_shared>> -> memref<1024x128xf32, #tpu.memory_space<vmem_shared>>
      tpu.enqueue_indirect_dma source(%dma_start3A_355 : memref<80x128xf32, #tpu.memory_space<vmem>>) target(%dma_start3A_358 : memref<1024x128xf32, #tpu.memory_space<vmem_shared>>) offsets(%arg18 : memref<80xi32, #tpu.memory_space<vmem>>) semaphore(%arg28 : memref<!tpu.dma_semaphore, #tpu.memory_space<semaphore_mem>>) {add = true}
      %dma_start3A_359 = arith.constant 0 : i32
      %dma_start3A_360 = tpu.memref_slice %arg24[%dma_start3A_359] : memref<1024xf32, #tpu.memory_space<vmem_shared>> -> memref<1024xf32, #tpu.memory_space<vmem_shared>>
      tpu.enqueue_indirect_dma source(%arg21 : memref<80xf32, #tpu.memory_space<vmem>>) target(%dma_start3A_360 : memref<1024xf32, #tpu.memory_space<vmem_shared>>) offsets(%arg18 : memref<80xi32, #tpu.memory_space<vmem>>) semaphore(%arg28 : memref<!tpu.dma_semaphore, #tpu.memory_space<semaphore_mem>>) {add = true}
      %dma_start3A_361 = arith.constant 240 : i32
      %dma_start3A_362 = arith.constant 0 : i32
      %dma_start3A_363 = tpu.memref_slice %arg10[%dma_start3A_361, %dma_start3A_362] : memref<400x128xf32, #tpu.memory_space<vmem>> -> memref<80x128xf32, #tpu.memory_space<vmem>>
      %dma_start3A_364 = arith.constant 0 : i32
      %dma_start3A_365 = arith.constant 0 : i32
      %dma_start3A_366 = tpu.memref_slice %arg23[%dma_start3A_364, %dma_start3A_365] : memref<1024x128xf32, #tpu.memory_space<vmem_shared>> -> memref<1024x128xf32, #tpu.memory_space<vmem_shared>>
      tpu.enqueue_indirect_dma source(%dma_start3A_363 : memref<80x128xf32, #tpu.memory_space<vmem>>) target(%dma_start3A_366 : memref<1024x128xf32, #tpu.memory_space<vmem_shared>>) offsets(%arg19 : memref<80xi32, #tpu.memory_space<vmem>>) semaphore(%arg28 : memref<!tpu.dma_semaphore, #tpu.memory_space<semaphore_mem>>) {add = true}
      %dma_start3A_367 = arith.constant 0 : i32
      %dma_start3A_368 = tpu.memref_slice %arg24[%dma_start3A_367] : memref<1024xf32, #tpu.memory_space<vmem_shared>> -> memref<1024xf32, #tpu.memory_space<vmem_shared>>
      tpu.enqueue_indirect_dma source(%arg21 : memref<80xf32, #tpu.memory_space<vmem>>) target(%dma_start3A_368 : memref<1024xf32, #tpu.memory_space<vmem_shared>>) offsets(%arg19 : memref<80xi32, #tpu.memory_space<vmem>>) semaphore(%arg28 : memref<!tpu.dma_semaphore, #tpu.memory_space<semaphore_mem>>) {add = true}
      %dma_start3A_369 = arith.constant 320 : i32
      %dma_start3A_370 = arith.constant 0 : i32
      %dma_start3A_371 = tpu.memref_slice %arg10[%dma_start3A_369, %dma_start3A_370] : memref<400x128xf32, #tpu.memory_space<vmem>> -> memref<80x128xf32, #tpu.memory_space<vmem>>
      %dma_start3A_372 = arith.constant 0 : i32
      %dma_start3A_373 = arith.constant 0 : i32
      %dma_start3A_374 = tpu.memref_slice %arg23[%dma_start3A_372, %dma_start3A_373] : memref<1024x128xf32, #tpu.memory_space<vmem_shared>> -> memref<1024x128xf32, #tpu.memory_space<vmem_shared>>
      tpu.enqueue_indirect_dma source(%dma_start3A_371 : memref<80x128xf32, #tpu.memory_space<vmem>>) target(%dma_start3A_374 : memref<1024x128xf32, #tpu.memory_space<vmem_shared>>) offsets(%arg20 : memref<80xi32, #tpu.memory_space<vmem>>) semaphore(%arg28 : memref<!tpu.dma_semaphore, #tpu.memory_space<semaphore_mem>>) {add = true}
      %dma_start3A_375 = arith.constant 0 : i32
      %dma_start3A_376 = tpu.memref_slice %arg24[%dma_start3A_375] : memref<1024xf32, #tpu.memory_space<vmem_shared>> -> memref<1024xf32, #tpu.memory_space<vmem_shared>>
      tpu.enqueue_indirect_dma source(%arg21 : memref<80xf32, #tpu.memory_space<vmem>>) target(%dma_start3A_376 : memref<1024xf32, #tpu.memory_space<vmem_shared>>) offsets(%arg20 : memref<80xi32, #tpu.memory_space<vmem>>) semaphore(%arg28 : memref<!tpu.dma_semaphore, #tpu.memory_space<semaphore_mem>>) {add = true}
      %dma_wait3A_377 = arith.constant 0 : i32
      %dma_wait3A_378 = arith.constant 0 : i32
      %dma_wait3A_379 = tpu.memref_slice %arg10[%dma_wait3A_377, %dma_wait3A_378] : memref<400x128xf32, #tpu.memory_space<vmem>> -> memref<80x128xf32, #tpu.memory_space<vmem>>
      %dma_wait3A_380 = arith.constant 0 : i32
      %dma_wait3A_381 = arith.constant 0 : i32
      %dma_wait3A_382 = tpu.memref_slice %arg23[%dma_wait3A_380, %dma_wait3A_381] : memref<1024x128xf32, #tpu.memory_space<vmem_shared>> -> memref<1024x128xf32, #tpu.memory_space<vmem_shared>>
      tpu.wait_indirect_dma semaphore(%arg28 : memref<!tpu.dma_semaphore, #tpu.memory_space<semaphore_mem>>) src(%dma_wait3A_379 : memref<80x128xf32, #tpu.memory_space<vmem>>) dst(%dma_wait3A_382 : memref<1024x128xf32, #tpu.memory_space<vmem_shared>>)
      %dma_wait3A_383 = arith.constant 0 : i32
      %dma_wait3A_384 = tpu.memref_slice %arg24[%dma_wait3A_383] : memref<1024xf32, #tpu.memory_space<vmem_shared>> -> memref<1024xf32, #tpu.memory_space<vmem_shared>>
      tpu.wait_indirect_dma semaphore(%arg28 : memref<!tpu.dma_semaphore, #tpu.memory_space<semaphore_mem>>) src(%arg21 : memref<80xf32, #tpu.memory_space<vmem>>) dst(%dma_wait3A_384 : memref<1024xf32, #tpu.memory_space<vmem_shared>>)
      %dma_wait3A_385 = arith.constant 80 : i32
      %dma_wait3A_386 = arith.constant 0 : i32
      %dma_wait3A_387 = tpu.memref_slice %arg10[%dma_wait3A_385, %dma_wait3A_386] : memref<400x128xf32, #tpu.memory_space<vmem>> -> memref<80x128xf32, #tpu.memory_space<vmem>>
      %dma_wait3A_388 = arith.constant 0 : i32
      %dma_wait3A_389 = arith.constant 0 : i32
      %dma_wait3A_390 = tpu.memref_slice %arg23[%dma_wait3A_388, %dma_wait3A_389] : memref<1024x128xf32, #tpu.memory_space<vmem_shared>> -> memref<1024x128xf32, #tpu.memory_space<vmem_shared>>
      tpu.wait_indirect_dma semaphore(%arg28 : memref<!tpu.dma_semaphore, #tpu.memory_space<semaphore_mem>>) src(%dma_wait3A_387 : memref<80x128xf32, #tpu.memory_space<vmem>>) dst(%dma_wait3A_390 : memref<1024x128xf32, #tpu.memory_space<vmem_shared>>)
      %dma_wait3A_391 = arith.constant 0 : i32
      %dma_wait3A_392 = tpu.memref_slice %arg24[%dma_wait3A_391] : memref<1024xf32, #tpu.memory_space<vmem_shared>> -> memref<1024xf32, #tpu.memory_space<vmem_shared>>
      tpu.wait_indirect_dma semaphore(%arg28 : memref<!tpu.dma_semaphore, #tpu.memory_space<semaphore_mem>>) src(%arg21 : memref<80xf32, #tpu.memory_space<vmem>>) dst(%dma_wait3A_392 : memref<1024xf32, #tpu.memory_space<vmem_shared>>)
      %dma_wait3A_393 = arith.constant 160 : i32
      %dma_wait3A_394 = arith.constant 0 : i32
      %dma_wait3A_395 = tpu.memref_slice %arg10[%dma_wait3A_393, %dma_wait3A_394] : memref<400x128xf32, #tpu.memory_space<vmem>> -> memref<80x128xf32, #tpu.memory_space<vmem>>
      %dma_wait3A_396 = arith.constant 0 : i32
      %dma_wait3A_397 = arith.constant 0 : i32
      %dma_wait3A_398 = tpu.memref_slice %arg23[%dma_wait3A_396, %dma_wait3A_397] : memref<1024x128xf32, #tpu.memory_space<vmem_shared>> -> memref<1024x128xf32, #tpu.memory_space<vmem_shared>>
      tpu.wait_indirect_dma semaphore(%arg28 : memref<!tpu.dma_semaphore, #tpu.memory_space<semaphore_mem>>) src(%dma_wait3A_395 : memref<80x128xf32, #tpu.memory_space<vmem>>) dst(%dma_wait3A_398 : memref<1024x128xf32, #tpu.memory_space<vmem_shared>>)
      %dma_wait3A_399 = arith.constant 0 : i32
      %dma_wait3A_400 = tpu.memref_slice %arg24[%dma_wait3A_399] : memref<1024xf32, #tpu.memory_space<vmem_shared>> -> memref<1024xf32, #tpu.memory_space<vmem_shared>>
      tpu.wait_indirect_dma semaphore(%arg28 : memref<!tpu.dma_semaphore, #tpu.memory_space<semaphore_mem>>) src(%arg21 : memref<80xf32, #tpu.memory_space<vmem>>) dst(%dma_wait3A_400 : memref<1024xf32, #tpu.memory_space<vmem_shared>>)
      %dma_wait3A_401 = arith.constant 240 : i32
      %dma_wait3A_402 = arith.constant 0 : i32
      %dma_wait3A_403 = tpu.memref_slice %arg10[%dma_wait3A_401, %dma_wait3A_402] : memref<400x128xf32, #tpu.memory_space<vmem>> -> memref<80x128xf32, #tpu.memory_space<vmem>>
      %dma_wait3A_404 = arith.constant 0 : i32
      %dma_wait3A_405 = arith.constant 0 : i32
      %dma_wait3A_406 = tpu.memref_slice %arg23[%dma_wait3A_404, %dma_wait3A_405] : memref<1024x128xf32, #tpu.memory_space<vmem_shared>> -> memref<1024x128xf32, #tpu.memory_space<vmem_shared>>
      tpu.wait_indirect_dma semaphore(%arg28 : memref<!tpu.dma_semaphore, #tpu.memory_space<semaphore_mem>>) src(%dma_wait3A_403 : memref<80x128xf32, #tpu.memory_space<vmem>>) dst(%dma_wait3A_406 : memref<1024x128xf32, #tpu.memory_space<vmem_shared>>)
      %dma_wait3A_407 = arith.constant 0 : i32
      %dma_wait3A_408 = tpu.memref_slice %arg24[%dma_wait3A_407] : memref<1024xf32, #tpu.memory_space<vmem_shared>> -> memref<1024xf32, #tpu.memory_space<vmem_shared>>
      tpu.wait_indirect_dma semaphore(%arg28 : memref<!tpu.dma_semaphore, #tpu.memory_space<semaphore_mem>>) src(%arg21 : memref<80xf32, #tpu.memory_space<vmem>>) dst(%dma_wait3A_408 : memref<1024xf32, #tpu.memory_space<vmem_shared>>)
      %dma_wait3A_409 = arith.constant 320 : i32
      %dma_wait3A_410 = arith.constant 0 : i32
      %dma_wait3A_411 = tpu.memref_slice %arg10[%dma_wait3A_409, %dma_wait3A_410] : memref<400x128xf32, #tpu.memory_space<vmem>> -> memref<80x128xf32, #tpu.memory_space<vmem>>
      %dma_wait3A_412 = arith.constant 0 : i32
      %dma_wait3A_413 = arith.constant 0 : i32
      %dma_wait3A_414 = tpu.memref_slice %arg23[%dma_wait3A_412, %dma_wait3A_413] : memref<1024x128xf32, #tpu.memory_space<vmem_shared>> -> memref<1024x128xf32, #tpu.memory_space<vmem_shared>>
      tpu.wait_indirect_dma semaphore(%arg28 : memref<!tpu.dma_semaphore, #tpu.memory_space<semaphore_mem>>) src(%dma_wait3A_411 : memref<80x128xf32, #tpu.memory_space<vmem>>) dst(%dma_wait3A_414 : memref<1024x128xf32, #tpu.memory_space<vmem_shared>>)
      %dma_wait3A_415 = arith.constant 0 : i32
      %dma_wait3A_416 = tpu.memref_slice %arg24[%dma_wait3A_415] : memref<1024xf32, #tpu.memory_space<vmem_shared>> -> memref<1024xf32, #tpu.memory_space<vmem_shared>>
      tpu.wait_indirect_dma semaphore(%arg28 : memref<!tpu.dma_semaphore, #tpu.memory_space<semaphore_mem>>) src(%arg21 : memref<80xf32, #tpu.memory_space<vmem>>) dst(%dma_wait3A_416 : memref<1024xf32, #tpu.memory_space<vmem_shared>>)
    }
    %scan3A_34 = arith.constant 12 : i32
    %dma_wait3A = arith.constant 0 : i32
    %dma_wait3A_35 = arith.constant 0 : i32
    %dma_wait3A_36 = tpu.memref_slice %arg2[%dma_wait3A, %dma_wait3A_35] : memref<320000x128xf32, #tpu.memory_space<hbm>> -> memref<400x128xf32, #tpu.memory_space<hbm>>
    %dma_wait3A_37 = arith.constant 0 : i32
    %dma_wait3A_38 = arith.constant 0 : i32
    %dma_wait3A_39 = tpu.memref_slice %arg2[%dma_wait3A_37, %dma_wait3A_38] : memref<320000x128xf32, #tpu.memory_space<hbm>> -> memref<400x128xf32, #tpu.memory_space<hbm>>
    tpu.wait_dma2 semaphore(%arg25 : memref<!tpu.dma_semaphore, #tpu.memory_space<semaphore_mem>>) src(%dma_wait3A_39 : memref<400x128xf32, #tpu.memory_space<hbm>>) dst(%arg9 : memref<400x128xf32, #tpu.memory_space<vmem>>)
    %dma_wait3A_40 = arith.constant 0 : i32
    %dma_wait3A_41 = tpu.memref_slice %arg3[%dma_wait3A_40] : memref<320000xi32, #tpu.memory_space<hbm>> -> memref<80xi32, #tpu.memory_space<hbm>>
    %dma_wait3A_42 = arith.constant 0 : i32
    %dma_wait3A_43 = tpu.memref_slice %arg3[%dma_wait3A_42] : memref<320000xi32, #tpu.memory_space<hbm>> -> memref<80xi32, #tpu.memory_space<hbm>>
    tpu.wait_dma2 semaphore(%arg25 : memref<!tpu.dma_semaphore, #tpu.memory_space<semaphore_mem>>) src(%dma_wait3A_43 : memref<80xi32, #tpu.memory_space<hbm>>) dst(%arg11 : memref<80xi32, #tpu.memory_space<vmem>>)
    %dma_wait3A_44 = arith.constant 0 : i32
    %dma_wait3A_45 = tpu.memref_slice %arg3[%dma_wait3A_44] : memref<320000xi32, #tpu.memory_space<hbm>> -> memref<80xi32, #tpu.memory_space<hbm>>
    %dma_wait3A_46 = arith.constant 0 : i32
    %dma_wait3A_47 = tpu.memref_slice %arg3[%dma_wait3A_46] : memref<320000xi32, #tpu.memory_space<hbm>> -> memref<80xi32, #tpu.memory_space<hbm>>
    tpu.wait_dma2 semaphore(%arg25 : memref<!tpu.dma_semaphore, #tpu.memory_space<semaphore_mem>>) src(%dma_wait3A_47 : memref<80xi32, #tpu.memory_space<hbm>>) dst(%arg12 : memref<80xi32, #tpu.memory_space<vmem>>)
    %dma_wait3A_48 = arith.constant 0 : i32
    %dma_wait3A_49 = tpu.memref_slice %arg3[%dma_wait3A_48] : memref<320000xi32, #tpu.memory_space<hbm>> -> memref<80xi32, #tpu.memory_space<hbm>>
    %dma_wait3A_50 = arith.constant 0 : i32
    %dma_wait3A_51 = tpu.memref_slice %arg3[%dma_wait3A_50] : memref<320000xi32, #tpu.memory_space<hbm>> -> memref<80xi32, #tpu.memory_space<hbm>>
    tpu.wait_dma2 semaphore(%arg25 : memref<!tpu.dma_semaphore, #tpu.memory_space<semaphore_mem>>) src(%dma_wait3A_51 : memref<80xi32, #tpu.memory_space<hbm>>) dst(%arg13 : memref<80xi32, #tpu.memory_space<vmem>>)
    %dma_wait3A_52 = arith.constant 0 : i32
    %dma_wait3A_53 = tpu.memref_slice %arg3[%dma_wait3A_52] : memref<320000xi32, #tpu.memory_space<hbm>> -> memref<80xi32, #tpu.memory_space<hbm>>
    %dma_wait3A_54 = arith.constant 0 : i32
    %dma_wait3A_55 = tpu.memref_slice %arg3[%dma_wait3A_54] : memref<320000xi32, #tpu.memory_space<hbm>> -> memref<80xi32, #tpu.memory_space<hbm>>
    tpu.wait_dma2 semaphore(%arg25 : memref<!tpu.dma_semaphore, #tpu.memory_space<semaphore_mem>>) src(%dma_wait3A_55 : memref<80xi32, #tpu.memory_space<hbm>>) dst(%arg14 : memref<80xi32, #tpu.memory_space<vmem>>)
    %dma_wait3A_56 = arith.constant 0 : i32
    %dma_wait3A_57 = tpu.memref_slice %arg3[%dma_wait3A_56] : memref<320000xi32, #tpu.memory_space<hbm>> -> memref<80xi32, #tpu.memory_space<hbm>>
    %dma_wait3A_58 = arith.constant 0 : i32
    %dma_wait3A_59 = tpu.memref_slice %arg3[%dma_wait3A_58] : memref<320000xi32, #tpu.memory_space<hbm>> -> memref<80xi32, #tpu.memory_space<hbm>>
    tpu.wait_dma2 semaphore(%arg25 : memref<!tpu.dma_semaphore, #tpu.memory_space<semaphore_mem>>) src(%dma_wait3A_59 : memref<80xi32, #tpu.memory_space<hbm>>) dst(%arg15 : memref<80xi32, #tpu.memory_space<vmem>>)
    %dma_start3A_60 = arith.constant 0 : i32
    %dma_start3A_61 = arith.constant 0 : i32
    %dma_start3A_62 = tpu.memref_slice %arg9[%dma_start3A_60, %dma_start3A_61] : memref<400x128xf32, #tpu.memory_space<vmem>> -> memref<80x128xf32, #tpu.memory_space<vmem>>
    %dma_start3A_63 = arith.constant 0 : i32
    %dma_start3A_64 = arith.constant 0 : i32
    %dma_start3A_65 = tpu.memref_slice %arg23[%dma_start3A_63, %dma_start3A_64] : memref<1024x128xf32, #tpu.memory_space<vmem_shared>> -> memref<1024x128xf32, #tpu.memory_space<vmem_shared>>
    tpu.enqueue_indirect_dma source(%dma_start3A_62 : memref<80x128xf32, #tpu.memory_space<vmem>>) target(%dma_start3A_65 : memref<1024x128xf32, #tpu.memory_space<vmem_shared>>) offsets(%arg11 : memref<80xi32, #tpu.memory_space<vmem>>) semaphore(%arg27 : memref<!tpu.dma_semaphore, #tpu.memory_space<semaphore_mem>>) {add = true}
    %dma_start3A_66 = arith.constant 0 : i32
    %dma_start3A_67 = tpu.memref_slice %arg24[%dma_start3A_66] : memref<1024xf32, #tpu.memory_space<vmem_shared>> -> memref<1024xf32, #tpu.memory_space<vmem_shared>>
    tpu.enqueue_indirect_dma source(%arg21 : memref<80xf32, #tpu.memory_space<vmem>>) target(%dma_start3A_67 : memref<1024xf32, #tpu.memory_space<vmem_shared>>) offsets(%arg11 : memref<80xi32, #tpu.memory_space<vmem>>) semaphore(%arg27 : memref<!tpu.dma_semaphore, #tpu.memory_space<semaphore_mem>>) {add = true}
    %dma_start3A_68 = arith.constant 80 : i32
    %dma_start3A_69 = arith.constant 0 : i32
    %dma_start3A_70 = tpu.memref_slice %arg9[%dma_start3A_68, %dma_start3A_69] : memref<400x128xf32, #tpu.memory_space<vmem>> -> memref<80x128xf32, #tpu.memory_space<vmem>>
    %dma_start3A_71 = arith.constant 0 : i32
    %dma_start3A_72 = arith.constant 0 : i32
    %dma_start3A_73 = tpu.memref_slice %arg23[%dma_start3A_71, %dma_start3A_72] : memref<1024x128xf32, #tpu.memory_space<vmem_shared>> -> memref<1024x128xf32, #tpu.memory_space<vmem_shared>>
    tpu.enqueue_indirect_dma source(%dma_start3A_70 : memref<80x128xf32, #tpu.memory_space<vmem>>) target(%dma_start3A_73 : memref<1024x128xf32, #tpu.memory_space<vmem_shared>>) offsets(%arg12 : memref<80xi32, #tpu.memory_space<vmem>>) semaphore(%arg27 : memref<!tpu.dma_semaphore, #tpu.memory_space<semaphore_mem>>) {add = true}
    %dma_start3A_74 = arith.constant 0 : i32
    %dma_start3A_75 = tpu.memref_slice %arg24[%dma_start3A_74] : memref<1024xf32, #tpu.memory_space<vmem_shared>> -> memref<1024xf32, #tpu.memory_space<vmem_shared>>
    tpu.enqueue_indirect_dma source(%arg21 : memref<80xf32, #tpu.memory_space<vmem>>) target(%dma_start3A_75 : memref<1024xf32, #tpu.memory_space<vmem_shared>>) offsets(%arg12 : memref<80xi32, #tpu.memory_space<vmem>>) semaphore(%arg27 : memref<!tpu.dma_semaphore, #tpu.memory_space<semaphore_mem>>) {add = true}
    %dma_start3A_76 = arith.constant 160 : i32
    %dma_start3A_77 = arith.constant 0 : i32
    %dma_start3A_78 = tpu.memref_slice %arg9[%dma_start3A_76, %dma_start3A_77] : memref<400x128xf32, #tpu.memory_space<vmem>> -> memref<80x128xf32, #tpu.memory_space<vmem>>
    %dma_start3A_79 = arith.constant 0 : i32
    %dma_start3A_80 = arith.constant 0 : i32
    %dma_start3A_81 = tpu.memref_slice %arg23[%dma_start3A_79, %dma_start3A_80] : memref<1024x128xf32, #tpu.memory_space<vmem_shared>> -> memref<1024x128xf32, #tpu.memory_space<vmem_shared>>
    tpu.enqueue_indirect_dma source(%dma_start3A_78 : memref<80x128xf32, #tpu.memory_space<vmem>>) target(%dma_start3A_81 : memref<1024x128xf32, #tpu.memory_space<vmem_shared>>) offsets(%arg13 : memref<80xi32, #tpu.memory_space<vmem>>) semaphore(%arg27 : memref<!tpu.dma_semaphore, #tpu.memory_space<semaphore_mem>>) {add = true}
    %dma_start3A_82 = arith.constant 0 : i32
    %dma_start3A_83 = tpu.memref_slice %arg24[%dma_start3A_82] : memref<1024xf32, #tpu.memory_space<vmem_shared>> -> memref<1024xf32, #tpu.memory_space<vmem_shared>>
    tpu.enqueue_indirect_dma source(%arg21 : memref<80xf32, #tpu.memory_space<vmem>>) target(%dma_start3A_83 : memref<1024xf32, #tpu.memory_space<vmem_shared>>) offsets(%arg13 : memref<80xi32, #tpu.memory_space<vmem>>) semaphore(%arg27 : memref<!tpu.dma_semaphore, #tpu.memory_space<semaphore_mem>>) {add = true}
    %dma_start3A_84 = arith.constant 240 : i32
    %dma_start3A_85 = arith.constant 0 : i32
    %dma_start3A_86 = tpu.memref_slice %arg9[%dma_start3A_84, %dma_start3A_85] : memref<400x128xf32, #tpu.memory_space<vmem>> -> memref<80x128xf32, #tpu.memory_space<vmem>>
    %dma_start3A_87 = arith.constant 0 : i32
    %dma_start3A_88 = arith.constant 0 : i32
    %dma_start3A_89 = tpu.memref_slice %arg23[%dma_start3A_87, %dma_start3A_88] : memref<1024x128xf32, #tpu.memory_space<vmem_shared>> -> memref<1024x128xf32, #tpu.memory_space<vmem_shared>>
    tpu.enqueue_indirect_dma source(%dma_start3A_86 : memref<80x128xf32, #tpu.memory_space<vmem>>) target(%dma_start3A_89 : memref<1024x128xf32, #tpu.memory_space<vmem_shared>>) offsets(%arg14 : memref<80xi32, #tpu.memory_space<vmem>>) semaphore(%arg27 : memref<!tpu.dma_semaphore, #tpu.memory_space<semaphore_mem>>) {add = true}
    %dma_start3A_90 = arith.constant 0 : i32
    %dma_start3A_91 = tpu.memref_slice %arg24[%dma_start3A_90] : memref<1024xf32, #tpu.memory_space<vmem_shared>> -> memref<1024xf32, #tpu.memory_space<vmem_shared>>
    tpu.enqueue_indirect_dma source(%arg21 : memref<80xf32, #tpu.memory_space<vmem>>) target(%dma_start3A_91 : memref<1024xf32, #tpu.memory_space<vmem_shared>>) offsets(%arg14 : memref<80xi32, #tpu.memory_space<vmem>>) semaphore(%arg27 : memref<!tpu.dma_semaphore, #tpu.memory_space<semaphore_mem>>) {add = true}
    %dma_start3A_92 = arith.constant 320 : i32
    %dma_start3A_93 = arith.constant 0 : i32
    %dma_start3A_94 = tpu.memref_slice %arg9[%dma_start3A_92, %dma_start3A_93] : memref<400x128xf32, #tpu.memory_space<vmem>> -> memref<80x128xf32, #tpu.memory_space<vmem>>
    %dma_start3A_95 = arith.constant 0 : i32
    %dma_start3A_96 = arith.constant 0 : i32
    %dma_start3A_97 = tpu.memref_slice %arg23[%dma_start3A_95, %dma_start3A_96] : memref<1024x128xf32, #tpu.memory_space<vmem_shared>> -> memref<1024x128xf32, #tpu.memory_space<vmem_shared>>
    tpu.enqueue_indirect_dma source(%dma_start3A_94 : memref<80x128xf32, #tpu.memory_space<vmem>>) target(%dma_start3A_97 : memref<1024x128xf32, #tpu.memory_space<vmem_shared>>) offsets(%arg15 : memref<80xi32, #tpu.memory_space<vmem>>) semaphore(%arg27 : memref<!tpu.dma_semaphore, #tpu.memory_space<semaphore_mem>>) {add = true}
    %dma_start3A_98 = arith.constant 0 : i32
    %dma_start3A_99 = tpu.memref_slice %arg24[%dma_start3A_98] : memref<1024xf32, #tpu.memory_space<vmem_shared>> -> memref<1024xf32, #tpu.memory_space<vmem_shared>>
    tpu.enqueue_indirect_dma source(%arg21 : memref<80xf32, #tpu.memory_space<vmem>>) target(%dma_start3A_99 : memref<1024xf32, #tpu.memory_space<vmem_shared>>) offsets(%arg15 : memref<80xi32, #tpu.memory_space<vmem>>) semaphore(%arg27 : memref<!tpu.dma_semaphore, #tpu.memory_space<semaphore_mem>>) {add = true}
    %dma_wait3A_100 = arith.constant 0 : i32
    %dma_wait3A_101 = arith.constant 0 : i32
    %dma_wait3A_102 = tpu.memref_slice %arg9[%dma_wait3A_100, %dma_wait3A_101] : memref<400x128xf32, #tpu.memory_space<vmem>> -> memref<80x128xf32, #tpu.memory_space<vmem>>
    %dma_wait3A_103 = arith.constant 0 : i32
    %dma_wait3A_104 = arith.constant 0 : i32
    %dma_wait3A_105 = tpu.memref_slice %arg23[%dma_wait3A_103, %dma_wait3A_104] : memref<1024x128xf32, #tpu.memory_space<vmem_shared>> -> memref<1024x128xf32, #tpu.memory_space<vmem_shared>>
    tpu.wait_indirect_dma semaphore(%arg27 : memref<!tpu.dma_semaphore, #tpu.memory_space<semaphore_mem>>) src(%dma_wait3A_102 : memref<80x128xf32, #tpu.memory_space<vmem>>) dst(%dma_wait3A_105 : memref<1024x128xf32, #tpu.memory_space<vmem_shared>>)
    %dma_wait3A_106 = arith.constant 0 : i32
    %dma_wait3A_107 = tpu.memref_slice %arg24[%dma_wait3A_106] : memref<1024xf32, #tpu.memory_space<vmem_shared>> -> memref<1024xf32, #tpu.memory_space<vmem_shared>>
    tpu.wait_indirect_dma semaphore(%arg27 : memref<!tpu.dma_semaphore, #tpu.memory_space<semaphore_mem>>) src(%arg21 : memref<80xf32, #tpu.memory_space<vmem>>) dst(%dma_wait3A_107 : memref<1024xf32, #tpu.memory_space<vmem_shared>>)
    %dma_wait3A_108 = arith.constant 80 : i32
    %dma_wait3A_109 = arith.constant 0 : i32
    %dma_wait3A_110 = tpu.memref_slice %arg9[%dma_wait3A_108, %dma_wait3A_109] : memref<400x128xf32, #tpu.memory_space<vmem>> -> memref<80x128xf32, #tpu.memory_space<vmem>>
    %dma_wait3A_111 = arith.constant 0 : i32
    %dma_wait3A_112 = arith.constant 0 : i32
    %dma_wait3A_113 = tpu.memref_slice %arg23[%dma_wait3A_111, %dma_wait3A_112] : memref<1024x128xf32, #tpu.memory_space<vmem_shared>> -> memref<1024x128xf32, #tpu.memory_space<vmem_shared>>
    tpu.wait_indirect_dma semaphore(%arg27 : memref<!tpu.dma_semaphore, #tpu.memory_space<semaphore_mem>>) src(%dma_wait3A_110 : memref<80x128xf32, #tpu.memory_space<vmem>>) dst(%dma_wait3A_113 : memref<1024x128xf32, #tpu.memory_space<vmem_shared>>)
    %dma_wait3A_114 = arith.constant 0 : i32
    %dma_wait3A_115 = tpu.memref_slice %arg24[%dma_wait3A_114] : memref<1024xf32, #tpu.memory_space<vmem_shared>> -> memref<1024xf32, #tpu.memory_space<vmem_shared>>
    tpu.wait_indirect_dma semaphore(%arg27 : memref<!tpu.dma_semaphore, #tpu.memory_space<semaphore_mem>>) src(%arg21 : memref<80xf32, #tpu.memory_space<vmem>>) dst(%dma_wait3A_115 : memref<1024xf32, #tpu.memory_space<vmem_shared>>)
    %dma_wait3A_116 = arith.constant 160 : i32
    %dma_wait3A_117 = arith.constant 0 : i32
    %dma_wait3A_118 = tpu.memref_slice %arg9[%dma_wait3A_116, %dma_wait3A_117] : memref<400x128xf32, #tpu.memory_space<vmem>> -> memref<80x128xf32, #tpu.memory_space<vmem>>
    %dma_wait3A_119 = arith.constant 0 : i32
    %dma_wait3A_120 = arith.constant 0 : i32
    %dma_wait3A_121 = tpu.memref_slice %arg23[%dma_wait3A_119, %dma_wait3A_120] : memref<1024x128xf32, #tpu.memory_space<vmem_shared>> -> memref<1024x128xf32, #tpu.memory_space<vmem_shared>>
    tpu.wait_indirect_dma semaphore(%arg27 : memref<!tpu.dma_semaphore, #tpu.memory_space<semaphore_mem>>) src(%dma_wait3A_118 : memref<80x128xf32, #tpu.memory_space<vmem>>) dst(%dma_wait3A_121 : memref<1024x128xf32, #tpu.memory_space<vmem_shared>>)
    %dma_wait3A_122 = arith.constant 0 : i32
    %dma_wait3A_123 = tpu.memref_slice %arg24[%dma_wait3A_122] : memref<1024xf32, #tpu.memory_space<vmem_shared>> -> memref<1024xf32, #tpu.memory_space<vmem_shared>>
    tpu.wait_indirect_dma semaphore(%arg27 : memref<!tpu.dma_semaphore, #tpu.memory_space<semaphore_mem>>) src(%arg21 : memref<80xf32, #tpu.memory_space<vmem>>) dst(%dma_wait3A_123 : memref<1024xf32, #tpu.memory_space<vmem_shared>>)
    %dma_wait3A_124 = arith.constant 240 : i32
    %dma_wait3A_125 = arith.constant 0 : i32
    %dma_wait3A_126 = tpu.memref_slice %arg9[%dma_wait3A_124, %dma_wait3A_125] : memref<400x128xf32, #tpu.memory_space<vmem>> -> memref<80x128xf32, #tpu.memory_space<vmem>>
    %dma_wait3A_127 = arith.constant 0 : i32
    %dma_wait3A_128 = arith.constant 0 : i32
    %dma_wait3A_129 = tpu.memref_slice %arg23[%dma_wait3A_127, %dma_wait3A_128] : memref<1024x128xf32, #tpu.memory_space<vmem_shared>> -> memref<1024x128xf32, #tpu.memory_space<vmem_shared>>
    tpu.wait_indirect_dma semaphore(%arg27 : memref<!tpu.dma_semaphore, #tpu.memory_space<semaphore_mem>>) src(%dma_wait3A_126 : memref<80x128xf32, #tpu.memory_space<vmem>>) dst(%dma_wait3A_129 : memref<1024x128xf32, #tpu.memory_space<vmem_shared>>)
    %dma_wait3A_130 = arith.constant 0 : i32
    %dma_wait3A_131 = tpu.memref_slice %arg24[%dma_wait3A_130] : memref<1024xf32, #tpu.memory_space<vmem_shared>> -> memref<1024xf32, #tpu.memory_space<vmem_shared>>
    tpu.wait_indirect_dma semaphore(%arg27 : memref<!tpu.dma_semaphore, #tpu.memory_space<semaphore_mem>>) src(%arg21 : memref<80xf32, #tpu.memory_space<vmem>>) dst(%dma_wait3A_131 : memref<1024xf32, #tpu.memory_space<vmem_shared>>)
    %dma_wait3A_132 = arith.constant 320 : i32
    %dma_wait3A_133 = arith.constant 0 : i32
    %dma_wait3A_134 = tpu.memref_slice %arg9[%dma_wait3A_132, %dma_wait3A_133] : memref<400x128xf32, #tpu.memory_space<vmem>> -> memref<80x128xf32, #tpu.memory_space<vmem>>
    %dma_wait3A_135 = arith.constant 0 : i32
    %dma_wait3A_136 = arith.constant 0 : i32
    %dma_wait3A_137 = tpu.memref_slice %arg23[%dma_wait3A_135, %dma_wait3A_136] : memref<1024x128xf32, #tpu.memory_space<vmem_shared>> -> memref<1024x128xf32, #tpu.memory_space<vmem_shared>>
    tpu.wait_indirect_dma semaphore(%arg27 : memref<!tpu.dma_semaphore, #tpu.memory_space<semaphore_mem>>) src(%dma_wait3A_134 : memref<80x128xf32, #tpu.memory_space<vmem>>) dst(%dma_wait3A_137 : memref<1024x128xf32, #tpu.memory_space<vmem_shared>>)
    %dma_wait3A_138 = arith.constant 0 : i32
    %dma_wait3A_139 = tpu.memref_slice %arg24[%dma_wait3A_138] : memref<1024xf32, #tpu.memory_space<vmem_shared>> -> memref<1024xf32, #tpu.memory_space<vmem_shared>>
    tpu.wait_indirect_dma semaphore(%arg27 : memref<!tpu.dma_semaphore, #tpu.memory_space<semaphore_mem>>) src(%arg21 : memref<80xf32, #tpu.memory_space<vmem>>) dst(%dma_wait3A_139 : memref<1024xf32, #tpu.memory_space<vmem_shared>>)
    %barrier3A_140 = arith.constant 0 : index
    tpu.barrier barrier_id(%barrier3A_140)
    "tpu.region"() ({
      %run_scoped3A = tpu.sem_alloc : memref<!tpu.dma_semaphore, #tpu.memory_space<semaphore_mem>>
      %dma_start3A_144 = arith.constant 0 : i32
      %dma_start3A_145 = tpu.memref_slice %arg7[%arg0, %mul3A_2, %dma_start3A_144] : memref<2x1024x128xf32, #tpu.memory_space<hbm>> -> memref<1x64x128xf32, #tpu.memory_space<hbm>>
      %dma_start3A_146 = tpu.memref_squeeze %dma_start3A_145 : memref<1x64x128xf32, #tpu.memory_space<hbm>> -> memref<64x128xf32, #tpu.memory_space<hbm>>
      %dma_start3A_147 = arith.constant 0 : i32
      %dma_start3A_148 = tpu.memref_slice %arg23[%mul3A_2, %dma_start3A_147] : memref<1024x128xf32, #tpu.memory_space<vmem_shared>> -> memref<64x128xf32, #tpu.memory_space<vmem_shared>>
      tpu.enqueue_dma source(%dma_start3A_148 : memref<64x128xf32, #tpu.memory_space<vmem_shared>>) target(%dma_start3A_146 : memref<64x128xf32, #tpu.memory_space<hbm>>) target_semaphore(%run_scoped3A : memref<!tpu.dma_semaphore, #tpu.memory_space<semaphore_mem>>)
      %dma_wait3A_149 = arith.constant 0 : i32
      %dma_wait3A_150 = tpu.memref_slice %arg7[%arg0, %mul3A_2, %dma_wait3A_149] : memref<2x1024x128xf32, #tpu.memory_space<hbm>> -> memref<1x64x128xf32, #tpu.memory_space<hbm>>
      %dma_wait3A_151 = tpu.memref_squeeze %dma_wait3A_150 : memref<1x64x128xf32, #tpu.memory_space<hbm>> -> memref<64x128xf32, #tpu.memory_space<hbm>>
      %dma_wait3A_152 = arith.constant 0 : i32
      %dma_wait3A_153 = tpu.memref_slice %arg23[%mul3A_2, %dma_wait3A_152] : memref<1024x128xf32, #tpu.memory_space<vmem_shared>> -> memref<64x128xf32, #tpu.memory_space<vmem_shared>>
      tpu.wait_dma2 semaphore(%run_scoped3A : memref<!tpu.dma_semaphore, #tpu.memory_space<semaphore_mem>>) src(%dma_wait3A_153 : memref<64x128xf32, #tpu.memory_space<vmem_shared>>) dst(%dma_wait3A_151 : memref<64x128xf32, #tpu.memory_space<hbm>>)
      tpu.yield
    }) : () -> ()
    "tpu.region"() ({
      %run_scoped3A = tpu.sem_alloc : memref<!tpu.dma_semaphore, #tpu.memory_space<semaphore_mem>>
      %dma_start3A_144 = tpu.memref_slice %arg24[%mul3A_2] : memref<1024xf32, #tpu.memory_space<vmem_shared>> -> memref<64xf32, #tpu.memory_space<vmem_shared>>
      %dma_start3A_145 = tpu.memref_slice %arg24[%mul3A_2] : memref<1024xf32, #tpu.memory_space<vmem_shared>> -> memref<64xf32, #tpu.memory_space<vmem_shared>>
      tpu.enqueue_dma source(%dma_start3A_145 : memref<64xf32, #tpu.memory_space<vmem_shared>>) target(%arg22 : memref<64xf32, #tpu.memory_space<vmem>>) target_semaphore(%run_scoped3A : memref<!tpu.dma_semaphore, #tpu.memory_space<semaphore_mem>>)
      %dma_wait3A_146 = tpu.memref_slice %arg24[%mul3A_2] : memref<1024xf32, #tpu.memory_space<vmem_shared>> -> memref<64xf32, #tpu.memory_space<vmem_shared>>
      %dma_wait3A_147 = tpu.memref_slice %arg24[%mul3A_2] : memref<1024xf32, #tpu.memory_space<vmem_shared>> -> memref<64xf32, #tpu.memory_space<vmem_shared>>
      tpu.wait_dma2 semaphore(%run_scoped3A : memref<!tpu.dma_semaphore, #tpu.memory_space<semaphore_mem>>) src(%dma_wait3A_147 : memref<64xf32, #tpu.memory_space<vmem_shared>>) dst(%arg22 : memref<64xf32, #tpu.memory_space<vmem>>)
      tpu.yield
    }) : () -> ()
    %mul3A_141 = arith.constant 1024 : i32
    %mul3A_142 = arith.muli %arg0, %mul3A_141 : i32
    %add3A_143 = arith.addi %mul3A_142, %mul3A_2 : i32
    "tpu.region"() ({
      %run_scoped3A = tpu.sem_alloc : memref<!tpu.dma_semaphore, #tpu.memory_space<semaphore_mem>>
      %dma_start3A_144 = tpu.memref_slice %arg8[%add3A_143] : memref<2048xf32, #tpu.memory_space<hbm>> -> memref<64xf32, #tpu.memory_space<hbm>>
      %dma_start3A_145 = tpu.memref_slice %arg8[%add3A_143] : memref<2048xf32, #tpu.memory_space<hbm>> -> memref<64xf32, #tpu.memory_space<hbm>>
      tpu.enqueue_dma source(%arg22 : memref<64xf32, #tpu.memory_space<vmem>>) target(%dma_start3A_145 : memref<64xf32, #tpu.memory_space<hbm>>) target_semaphore(%run_scoped3A : memref<!tpu.dma_semaphore, #tpu.memory_space<semaphore_mem>>)
      %dma_wait3A_146 = tpu.memref_slice %arg8[%add3A_143] : memref<2048xf32, #tpu.memory_space<hbm>> -> memref<64xf32, #tpu.memory_space<hbm>>
      %dma_wait3A_147 = tpu.memref_slice %arg8[%add3A_143] : memref<2048xf32, #tpu.memory_space<hbm>> -> memref<64xf32, #tpu.memory_space<hbm>>
      tpu.wait_dma2 semaphore(%run_scoped3A : memref<!tpu.dma_semaphore, #tpu.memory_space<semaphore_mem>>) src(%arg22 : memref<64xf32, #tpu.memory_space<vmem>>) dst(%dma_wait3A_147 : memref<64xf32, #tpu.memory_space<hbm>>)
      tpu.yield
    }) : () -> ()
    return
  }
}

module attributes {stable_mosaic.version = 14 : i64} {
  func.func @body(%arg0: memref<2x1024x128xf32, #tpu.memory_space<vmem>>, %arg1: memref<1024x2xf32, #tpu.memory_space<vmem>>, %arg2: memref<1x128xf32, #tpu.memory_space<vmem>>, %arg3: memref<1x128xf32, #tpu.memory_space<vmem>>, %arg4: memref<128x128xf32, #tpu.memory_space<vmem>>, %arg5: memref<1x128xf32, #tpu.memory_space<vmem>>, %arg6: memref<128x128xf32, #tpu.memory_space<vmem>>, %arg7: memref<1x128xf32, #tpu.memory_space<vmem>>, %arg8: memref<1x128xf32, #tpu.memory_space<vmem>>, %arg9: memref<1x128xf32, #tpu.memory_space<vmem>>, %arg10: memref<1024x128xf32, #tpu.memory_space<vmem>>) attributes {dimension_semantics = [], scalar_prefetch = 0 : i64, scratch_operands = 0 : i64, tpu.core_type = #tpu.core_type<tc>} {
    %get3A = arith.constant 0 : index
    %get3A_0 = arith.constant 0 : index
    %get3A_1 = arith.constant 0 : index
    %get3A_2 = vector.load %arg0[%get3A, %get3A_0, %get3A_1] : memref<2x1024x128xf32, #tpu.memory_space<vmem>>, vector<1x1024x128xf32>
    %get3A_3 = vector.shape_cast %get3A_2 : vector<1x1024x128xf32> to vector<1024x128xf32>
    %get3A_4 = arith.constant 1 : index
    %get3A_5 = arith.constant 0 : index
    %get3A_6 = arith.constant 0 : index
    %get3A_7 = vector.load %arg0[%get3A_4, %get3A_5, %get3A_6] : memref<2x1024x128xf32, #tpu.memory_space<vmem>>, vector<1x1024x128xf32>
    %get3A_8 = vector.shape_cast %get3A_7 : vector<1x1024x128xf32> to vector<1024x128xf32>
    %add3A = arith.addf %get3A_3, %get3A_8 : vector<1024x128xf32>
    %get3A_9 = arith.constant 0 : index
    %get3A_10 = arith.constant 0 : index
    %get3A_11 = vector.load %arg1[%get3A_9, %get3A_10] : memref<1024x2xf32, #tpu.memory_space<vmem>>, vector<1024x2xf32>
    %reduce_sum3A = arith.constant dense<0.000000e+00> : vector<1024xf32>
    %reduce_sum3A_12 = vector.multi_reduction <add>, %get3A_11, %reduce_sum3A [1] : vector<1024x2xf32> to vector<1024xf32>
    %broadcast_in_dim3A = vector.shape_cast %reduce_sum3A_12 : vector<1024xf32> to vector<1024x1xf32>
    %max3A = arith.constant 1.000000e+00 : f32
    %max3A_13 = vector.broadcast %max3A : f32 to vector<1024x1xf32>
    %max3A_14 = arith.maximumf %broadcast_in_dim3A, %max3A_13 : vector<1024x1xf32>
    %div3A = vector.broadcast %max3A_14 : vector<1024x1xf32> to vector<1024x128xf32>
    %div3A_15 = arith.divf %add3A, %div3A : vector<1024x128xf32>
    %reduce_sum3A_16 = arith.constant dense<0.000000e+00> : vector<1024xf32>
    %reduce_sum3A_17 = vector.multi_reduction <add>, %div3A_15, %reduce_sum3A_16 [1] : vector<1024x128xf32> to vector<1024xf32>
    %broadcast_in_dim3A_18 = vector.shape_cast %reduce_sum3A_17 : vector<1024xf32> to vector<1024x1xf32>
    %div3A_19 = arith.constant 1.280000e+02 : f32
    %div3A_20 = vector.broadcast %div3A_19 : f32 to vector<1024x1xf32>
    %div3A_21 = arith.divf %broadcast_in_dim3A_18, %div3A_20 : vector<1024x1xf32>
    %sub3A = vector.broadcast %div3A_21 : vector<1024x1xf32> to vector<1024x128xf32>
    %sub3A_22 = arith.subf %div3A_15, %sub3A : vector<1024x128xf32>
    %sub3A_23 = vector.broadcast %div3A_21 : vector<1024x1xf32> to vector<1024x128xf32>
    %sub3A_24 = arith.subf %div3A_15, %sub3A_23 : vector<1024x128xf32>
    %mul3A = arith.mulf %sub3A_22, %sub3A_24 : vector<1024x128xf32>
    %reduce_sum3A_25 = arith.constant dense<0.000000e+00> : vector<1024xf32>
    %reduce_sum3A_26 = vector.multi_reduction <add>, %mul3A, %reduce_sum3A_25 [1] : vector<1024x128xf32> to vector<1024xf32>
    %broadcast_in_dim3A_27 = vector.shape_cast %reduce_sum3A_26 : vector<1024xf32> to vector<1024x1xf32>
    %div3A_28 = arith.constant 1.280000e+02 : f32
    %div3A_29 = vector.broadcast %div3A_28 : f32 to vector<1024x1xf32>
    %div3A_30 = arith.divf %broadcast_in_dim3A_27, %div3A_29 : vector<1024x1xf32>
    %sub3A_31 = vector.broadcast %div3A_21 : vector<1024x1xf32> to vector<1024x128xf32>
    %sub3A_32 = arith.subf %div3A_15, %sub3A_31 : vector<1024x128xf32>
    %add3A_33 = arith.constant 9.99999974E-6 : f32
    %add3A_34 = vector.broadcast %add3A_33 : f32 to vector<1024x1xf32>
    %add3A_35 = arith.addf %div3A_30, %add3A_34 : vector<1024x1xf32>
    %rsqrt3A = math.rsqrt %add3A_35 : vector<1024x1xf32>
    %mul3A_36 = vector.broadcast %rsqrt3A : vector<1024x1xf32> to vector<1024x128xf32>
    %mul3A_37 = arith.mulf %sub3A_32, %mul3A_36 : vector<1024x128xf32>
    %get3A_38 = arith.constant 0 : index
    %get3A_39 = arith.constant 0 : index
    %get3A_40 = vector.load %arg2[%get3A_38, %get3A_39] : memref<1x128xf32, #tpu.memory_space<vmem>>, vector<1x128xf32>
    %mul3A_41 = vector.broadcast %get3A_40 : vector<1x128xf32> to vector<1024x128xf32>
    %mul3A_42 = arith.mulf %mul3A_37, %mul3A_41 : vector<1024x128xf32>
    %get3A_43 = arith.constant 0 : index
    %get3A_44 = arith.constant 0 : index
    %get3A_45 = vector.load %arg3[%get3A_43, %get3A_44] : memref<1x128xf32, #tpu.memory_space<vmem>>, vector<1x128xf32>
    %add3A_46 = vector.broadcast %get3A_45 : vector<1x128xf32> to vector<1024x128xf32>
    %add3A_47 = arith.addf %mul3A_42, %add3A_46 : vector<1024x128xf32>
    %get3A_48 = arith.constant 0 : index
    %get3A_49 = arith.constant 0 : index
    %get3A_50 = vector.load %arg4[%get3A_48, %get3A_49] : memref<128x128xf32, #tpu.memory_space<vmem>>, vector<128x128xf32>
    %dot_general3A = arith.constant dense<0.000000e+00> : vector<1024x128xf32>
    %dot_general3A_51 = tpu.matmul %add3A_47, %get3A_50, %dot_general3A {dimension_numbers = #tpu.dot_dimension_numbers<[1], [1], [0], [0], [0, 0, 1, 0], [], []>, transpose_lhs_hint = false} : vector<1024x128xf32>, vector<128x128xf32>, vector<1024x128xf32> -> vector<1024x128xf32>
    %get3A_52 = arith.constant 0 : index
    %get3A_53 = arith.constant 0 : index
    %get3A_54 = vector.load %arg5[%get3A_52, %get3A_53] : memref<1x128xf32, #tpu.memory_space<vmem>>, vector<1x128xf32>
    %add3A_55 = vector.broadcast %get3A_54 : vector<1x128xf32> to vector<1024x128xf32>
    %add3A_56 = arith.addf %dot_general3A_51, %add3A_55 : vector<1024x128xf32>
    %gt3A = arith.constant 0.000000e+00 : f32
    %gt3A_57 = vector.broadcast %gt3A : f32 to vector<1024x128xf32>
    %gt3A_58 = arith.cmpf ogt, %add3A_56, %gt3A_57 : vector<1024x128xf32>
    %min3A = arith.constant 0.000000e+00 : f32
    %min3A_59 = vector.broadcast %min3A : f32 to vector<1024x128xf32>
    %min3A_60 = arith.minimumf %add3A_56, %min3A_59 : vector<1024x128xf32>
    %exp3A = math.exp %min3A_60 : vector<1024x128xf32>
    %sub3A_61 = arith.constant 1.000000e+00 : f32
    %sub3A_62 = vector.broadcast %sub3A_61 : f32 to vector<1024x128xf32>
    %sub3A_63 = arith.subf %exp3A, %sub3A_62 : vector<1024x128xf32>
    %select_n3A = arith.select %gt3A_58, %add3A_56, %sub3A_63 : vector<1024x128xi1>, vector<1024x128xf32>
    %get3A_64 = arith.constant 0 : index
    %get3A_65 = arith.constant 0 : index
    %get3A_66 = vector.load %arg6[%get3A_64, %get3A_65] : memref<128x128xf32, #tpu.memory_space<vmem>>, vector<128x128xf32>
    %dot_general3A_67 = arith.constant dense<0.000000e+00> : vector<1024x128xf32>
    %dot_general3A_68 = tpu.matmul %select_n3A, %get3A_66, %dot_general3A_67 {dimension_numbers = #tpu.dot_dimension_numbers<[1], [1], [0], [0], [0, 0, 1, 0], [], []>, transpose_lhs_hint = false} : vector<1024x128xf32>, vector<128x128xf32>, vector<1024x128xf32> -> vector<1024x128xf32>
    %get3A_69 = arith.constant 0 : index
    %get3A_70 = arith.constant 0 : index
    %get3A_71 = vector.load %arg7[%get3A_69, %get3A_70] : memref<1x128xf32, #tpu.memory_space<vmem>>, vector<1x128xf32>
    %add3A_72 = vector.broadcast %get3A_71 : vector<1x128xf32> to vector<1024x128xf32>
    %add3A_73 = arith.addf %dot_general3A_68, %add3A_72 : vector<1024x128xf32>
    %add3A_74 = arith.addf %add3A_73, %add3A_47 : vector<1024x128xf32>
    %reduce_sum3A_75 = arith.constant dense<0.000000e+00> : vector<1024xf32>
    %reduce_sum3A_76 = vector.multi_reduction <add>, %add3A_74, %reduce_sum3A_75 [1] : vector<1024x128xf32> to vector<1024xf32>
    %broadcast_in_dim3A_77 = vector.shape_cast %reduce_sum3A_76 : vector<1024xf32> to vector<1024x1xf32>
    %div3A_78 = arith.constant 1.280000e+02 : f32
    %div3A_79 = vector.broadcast %div3A_78 : f32 to vector<1024x1xf32>
    %div3A_80 = arith.divf %broadcast_in_dim3A_77, %div3A_79 : vector<1024x1xf32>
    %sub3A_81 = vector.broadcast %div3A_80 : vector<1024x1xf32> to vector<1024x128xf32>
    %sub3A_82 = arith.subf %add3A_74, %sub3A_81 : vector<1024x128xf32>
    %sub3A_83 = vector.broadcast %div3A_80 : vector<1024x1xf32> to vector<1024x128xf32>
    %sub3A_84 = arith.subf %add3A_74, %sub3A_83 : vector<1024x128xf32>
    %mul3A_85 = arith.mulf %sub3A_82, %sub3A_84 : vector<1024x128xf32>
    %reduce_sum3A_86 = arith.constant dense<0.000000e+00> : vector<1024xf32>
    %reduce_sum3A_87 = vector.multi_reduction <add>, %mul3A_85, %reduce_sum3A_86 [1] : vector<1024x128xf32> to vector<1024xf32>
    %broadcast_in_dim3A_88 = vector.shape_cast %reduce_sum3A_87 : vector<1024xf32> to vector<1024x1xf32>
    %div3A_89 = arith.constant 1.280000e+02 : f32
    %div3A_90 = vector.broadcast %div3A_89 : f32 to vector<1024x1xf32>
    %div3A_91 = arith.divf %broadcast_in_dim3A_88, %div3A_90 : vector<1024x1xf32>
    %sub3A_92 = vector.broadcast %div3A_80 : vector<1024x1xf32> to vector<1024x128xf32>
    %sub3A_93 = arith.subf %add3A_74, %sub3A_92 : vector<1024x128xf32>
    %add3A_94 = arith.constant 9.99999974E-6 : f32
    %add3A_95 = vector.broadcast %add3A_94 : f32 to vector<1024x1xf32>
    %add3A_96 = arith.addf %div3A_91, %add3A_95 : vector<1024x1xf32>
    %rsqrt3A_97 = math.rsqrt %add3A_96 : vector<1024x1xf32>
    %mul3A_98 = vector.broadcast %rsqrt3A_97 : vector<1024x1xf32> to vector<1024x128xf32>
    %mul3A_99 = arith.mulf %sub3A_93, %mul3A_98 : vector<1024x128xf32>
    %get3A_100 = arith.constant 0 : index
    %get3A_101 = arith.constant 0 : index
    %get3A_102 = vector.load %arg8[%get3A_100, %get3A_101] : memref<1x128xf32, #tpu.memory_space<vmem>>, vector<1x128xf32>
    %mul3A_103 = vector.broadcast %get3A_102 : vector<1x128xf32> to vector<1024x128xf32>
    %mul3A_104 = arith.mulf %mul3A_99, %mul3A_103 : vector<1024x128xf32>
    %get3A_105 = arith.constant 0 : index
    %get3A_106 = arith.constant 0 : index
    %get3A_107 = vector.load %arg9[%get3A_105, %get3A_106] : memref<1x128xf32, #tpu.memory_space<vmem>>, vector<1x128xf32>
    %add3A_108 = vector.broadcast %get3A_107 : vector<1x128xf32> to vector<1024x128xf32>
    %add3A_109 = arith.addf %mul3A_104, %add3A_108 : vector<1024x128xf32>
    %swap3A = arith.constant 0 : index
    %swap3A_110 = arith.constant 0 : index
    %swap3A_111 = vector.load %arg10[%swap3A, %swap3A_110] : memref<1024x128xf32, #tpu.memory_space<vmem>>, vector<1024x128xf32>
    tpu.vector_store %arg10[%swap3A, %swap3A_110], %add3A_109 {strides = array<i32>} : memref<1024x128xf32, #tpu.memory_space<vmem>>, vector<1024x128xf32>,
    return
  }
}

</mosaic_0001>

<sc_bundles>
// kernel: kernel.4.cloned.1.call-start
scs
__scs_entry_jumppad:
0x0: {  	(pc) =	sbr.rel $0x88, $3  }
0x1: {  	(tag) =	ssettag $0x0;
	lr =	simm.s32 $0x1  }
0x2: {  	[smem:$0x3F97] =	sst lr;
	_ =	strace $0xD0000000  }
0x3: {  	_ = 	snop  }
0x4: {  	_ = 	snop  }
0x5: {  	_ = 	snop  }
0x6: {  	_ = 	snop  }
0x7: {  	_ = 	snop  }
__scs_overlays_trampoline_lowered:
0x8: {  	[smem:$0x3FA6] =	sst s0  }
0x9: {  	[smem:$0x3FA7] =	sst s1  }
0xa: {  	[smem:$0x3FA8] =	sst s2  }
0xb: {  	[smem:$0x3FA9] =	sst s3  }
0xc: {  	[smem:$0x3FAA] =	sst s4  }
0xd: {  	[smem:$0x3FAB] =	sst s5  }
0xe: {  	[smem:$0x3FAC] =	sst s6  }
0xf: {  	[smem:$0x3FAD] =	sst s7  }
0x10: {  	[smem:$0x3FAE] =	sst s8  }
0x11: {  	[smem:$0x3FAF] =	sst s9;
	s0 =	simm.s32 @!p0 $0x0  }
0x12: {  	s1 =	sld [smem:$0x3F95];
	s0 =	simm.s32 @p0 $0x1  }
0x13: {  	[smem:$0x3FB0] =	sst s0;
	s0 =	simm.s32 @!p1 $0x0  }
0x14: {  	s2 =	sld [smem:$0x3F94];
	s0 =	simm.s32 @p1 $0x1  }
0x15: {  	[smem:$0x3FB1] =	sst s0;
	s0 =	simm.s32 @!p2 $0x0  }
0x16: {  	s3 =	sld [smem:$0x3FDB];
	s0 =	simm.s32 @p2 $0x1  }
0x17: {  	s4 =	simm.s32 $0x1BF5;
	[smem:$0x3FB3] =	sst s0  }
0x18: {  	s0 =	sld [smem:$0x3F96];
	_ =	swait.ge [sflag:s4], $0x0  }
0x19: {  	s7 =	sld [smem:$0x3F97]  }
0x1a: {  	s8 =	sadd.s32 $0xFFFFE003, lr  }
0x1b: {  	s9 =	sadd.s32 $0xFFFFFEF7, lr;
	s5 =	simm.s32 $0xFFFFFFFF;
	p2 =	slt.u32 s8, $0xFFFFF086  }
0x1c: {  	p1 =	slt.u32 s9, $0xF7A;
	s5 =	simm.s32 @!p2 $0x0  }
0x1d: {  	s5 =	simm.s32 @p1 $0x1;
	p0 =	seq.s32 s7, s2  }
0x1e: {  	s7 =	smul.u32 @!p0 $0xF7A, s2;
	p2 =	seq.s32 @!p0 s5, $0x0  }
0x1f: {  	s9 =	smul.u32 $0xF7A, s1;
	s8 =	simm.s32 @!p0 $0x1BF5;
	p2 =	por !p2, p0  }
0x20: {  	[sflag:s8] =	ssyncset.s32 @!p0 $0xFFFFF086;
	s6 =	sadd.s32 @!p0 s3, s7;
	s7 =	simm.s32 @!p0 $0x108  }
0x21: {  	s3 =	sadd.s32 s3, s9;
	s6 =	sadd.s32 @!p0 $0x88, s6;
	s7 =	simm.s32 @p2 $0x1082  }
0x22: {  	[simem:s7], [sflag:s8] =	dma.local @!p0 [hbm:s6], $0xF7A  }
0x23: {  	s9 =	sor.u32 $0xD0000000, s2;
	s6 =	simm.s32 $0x108;
	_ =	swait.ge @!p0 [sflag:s8], $0x0  }
0x24: {  	s3 =	sadd.s32 $0x88, s3;
	s6 =	simm.s32 @!p1 $0x1082;
	[sflag:s4] =	ssyncset.s32 $0xFFFFF086  }
0x25: {  	[simem:s6], [sflag:s4] =	dma.local [hbm:s3], $0xF7A  }
0x26: {  	[smem:$0x3F97] =	sst s1;
	(tag) =	ssettag s2;
	_ =	strace s9  }
0x27: {  	s1 =	sld [smem:$0x3FA7]  }
0x28: {  	s2 =	sld [smem:$0x3FA8]  }
0x29: {  	s4 =	sld [smem:$0x3FAA]  }
0x2a: {  	p0 =	seq.s32 s5, $0x0;
	s5 =	sld [smem:$0x3FAB]  }
0x2b: {  	s6 =	sld [smem:$0x3FAC]  }
0x2c: {  	s7 =	sld [smem:$0x3FAD]  }
0x2d: {  	s3 =	simm.s32 $0x108;
	s8 =	sld [smem:$0x3FAE]  }
0x2e: {  	s3 =	simm.s32 @!p0 $0x1082;
	s9 =	sld [smem:$0x3FAF]  }
0x2f: {  	lr =	sadd.s32 s0, s3;
	s0 =	sld [smem:$0x3FA6]  }
0x30: {  	s3 =	sld [smem:$0x3FA9]  }
0x31: {  	[smem:$0x3FB2] =	sst s10  }
0x32: {  	s10 =	sld [smem:$0x3FB0];
	_ =	sdelay $0x3  }
0x33: {  	p0 =	seq.s32 s10, $0x1;
	s10 =	sld [smem:$0x3FB2];
	_ =	sdelay $0x3  }
0x34: {  	[smem:$0x3FB2] =	sst s10  }
0x35: {  	s10 =	sld [smem:$0x3FB1];
	_ =	sdelay $0x3  }
0x36: {  	p1 =	seq.s32 s10, $0x1;
	s10 =	sld [smem:$0x3FB2];
	_ =	sdelay $0x3  }
0x37: {  	[smem:$0x3FB2] =	sst s10  }
0x38: {  	s10 =	sld [smem:$0x3FB3]  }
0x39: {  	_ = 	snop;
	(pc) =	sbr.ind lr, $3  }
0x3a: {  	_ = 	snop  }
0x3b: {  	_ = 	snop  }
0x3c: {  	p2 =	seq.s32 s10, $0x1;
	s10 =	sld [smem:$0x3FB2]  }
0x3d: {  	_ =	shalt  }
0x3e: {  	_ =	shalt  }
0x3f: {  	_ =	shalt  }
0x40: {  	_ =	shalt  }
0x41: {  	_ =	shalt  }
0x42: {  	_ =	shalt  }
0x43: {  	_ =	shalt  }
0x44: {  	_ =	shalt  }
0x45: {  	_ =	shalt  }
0x46: {  	_ =	shalt  }
0x47: {  	_ =	shalt  }
0x48: {  	_ =	shalt  }
0x49: {  	_ =	shalt  }
0x4a: {  	_ =	shalt  }
0x4b: {  	_ =	shalt  }
0x4c: {  	_ =	shalt  }
0x4d: {  	_ =	shalt  }
0x4e: {  	_ =	shalt  }
0x4f: {  	_ =	shalt  }
0x50: {  	_ =	shalt  }
0x51: {  	_ =	shalt  }
0x52: {  	_ =	shalt  }
0x53: {  	_ =	shalt  }
0x54: {  	_ =	shalt  }
0x55: {  	_ =	shalt  }
0x56: {  	_ =	shalt  }
0x57: {  	_ =	shalt  }
0x58: {  	_ =	shalt  }
0x59: {  	_ =	shalt  }
0x5a: {  	_ =	shalt  }
0x5b: {  	_ =	shalt  }
0x5c: {  	_ =	shalt  }
0x5d: {  	_ =	shalt  }
0x5e: {  	_ =	shalt  }
0x5f: {  	_ =	shalt  }
0x60: {  	_ =	shalt  }
0x61: {  	_ =	shalt  }
0x62: {  	_ =	shalt  }
0x63: {  	_ =	shalt  }
0x64: {  	_ =	shalt  }
0x65: {  	_ =	shalt  }
0x66: {  	_ =	shalt  }
0x67: {  	_ =	shalt  }
0x68: {  	_ =	shalt  }
0x69: {  	_ =	shalt  }
0x6a: {  	_ =	shalt  }
0x6b: {  	_ =	shalt  }
0x6c: {  	_ =	shalt  }
0x6d: {  	_ =	shalt  }
0x6e: {  	_ =	shalt  }
0x6f: {  	_ =	shalt  }
0x70: {  	_ =	shalt  }
0x71: {  	_ =	shalt  }
0x72: {  	_ =	shalt  }
0x73: {  	_ =	shalt  }
0x74: {  	_ =	shalt  }
0x75: {  	_ =	shalt  }
0x76: {  	_ =	shalt  }
0x77: {  	_ =	shalt  }
0x78: {  	_ =	shalt  }
0x79: {  	_ =	shalt  }
0x7a: {  	_ =	shalt  }
0x7b: {  	_ =	shalt  }
0x7c: {  	_ =	shalt  }
0x7d: {  	_ =	shalt  }
0x7e: {  	_ =	shalt  }
0x7f: {  	_ =	shalt  }
0x80: {  	_ =	shalt  }
0x81: {  	_ =	shalt  }
0x82: {  	_ =	shalt  }
0x83: {  	_ =	shalt  }
0x84: {  	_ =	shalt  }
0x85: {  	_ =	shalt  }
0x86: {  	_ =	shalt  }
0x87: {  	_ =	shalt  }
.Lfunc_end0:
.L_simem_size_0:
called_computation_lowered:
.L_overlay_start_0:
0x88: {  	s2 =	sld [smem:$0x3FD9]  }
0x89: {  	s3 =	sld [smem:$0x3FFE];
	_ =	sdelay $0x1  }
0x8a: {  	s1 =	srdreg.scid  }
0x8b: {  	s0 =	sand.u32 $0x1, s1  }
0x8c: {  	s17 =	sshll.u32 s0, $0xA;
	s2 =	sadd.s32 s3, s2  }
0x8d: {  	s2 =	sadd.s32 s2, s17  }
0x8e: {  	[smem:$0x3FBE] =	sst s2  }
0x8f: {  	_ = 	snop  }
0x90: {  	s2 =	sld [smem:$0x3FC9]  }
0x91: {  	s18 =	sld [smem:$0x3FC8]  }
0x92: {  	s4 =	sld [smem:$0x3FD0];
	(tm) =	ssettm $0x1  }
0x93: {  	s5 =	sld [smem:$0x3FFB];
	_ =	sdelay $0x3  }
0x94: {  	_ =	strace s5  }
0x95: {  	s5 =	sld [smem:$0x3FFC];
	_ =	sdelay $0x3  }
0x96: {  	_ =	strace s5  }
0x97: {  	s5 =	sld [smem:$0x3FFD];
	_ =	sdelay $0x3  }
0x98: {  	_ =	strace s5  }
0x99: {  	_ =	strace $0x8FFFFFFF  }
0x9a: {  	s19 =	sld [smem:$0x3FDB];
	_ =	sdelay $0x1  }
0x9b: {  	s6 =	simm.s32 $_scs_section_size  }
0x9c: {  	s7 =	simm.s32 $_size__tile_overlayer_lowered;
	s8 =	simm.s32 $_tile_overlayer_lowered  }
0x9d: {  	s22 =	simm.s32 $0x1BFF;
	s21 =	sshll.u32 s8, $0x1;
	s5 =	sadd.s32 s6, s19  }
0x9e: {  	s9 =	simm.s32 $0x0;
	s20 =	sshll.u32 s7, $0x1;
	s7 =	sadd.s32 s21, s5  }
0x9f: {  	[timem:s9], [sflag:s22] =	dma.local [hbm:s7], s20  }
0xa0: {  	_ =	swait.ge [sflag:s22], s20  }
0xa1: {  	s6 =	ssub.s32 $0x0, s20;
	[sflag:s22] =	ssyncset.done $0x0  }
0xa2: {  	[sflag:s22] =	ssyncadd.s32 s6;
	_ =	sdelay $0x1  }
0xa3: {  	s23 =	simm.s32 $0x1B8B  }
0xa4: {  	_ =	swait.ge [sflag:s23], $0x1  }
0xa5: {  	[sflag:s23] =	ssyncset.done $0x0  }
0xa6: {  	s25 =	simm.s32 $0x1B8E;
	s24 =	sld [smem:$0x3FFE];
	[sflag:s23] =	ssyncadd.s32 $0xFFFFFFFF  }
0xa7: {  	s26 =	simm.s32 $execute0_lowered;
	[smem:$0x3FD2] =	sst s25  }
0xa8: {  	s7 =	sshll.u32 s26, $0x1;
	_ =	strace $0x80000046;
	[dreg:$0x1] =	wrdreg $0xFFFFFFFF  }
0xa9: {  	s28 =	simm.s32 $_size_execute0_lowered;
	s5 =	sadd.s32 s5, s7;
	[dreg:$0x0] =	wrdreg $0x0  }
0xaa: {  	s7 =	sshll.u32 s28, $0x1;
	[dreg:$0x2] =	wrdreg s5  }
0xab: {  	[dreg:$0x3] =	wrdreg s7  }
0xac: {  	[dreg:$0x4] =	wrdreg $0xC0  }
0xad: {  	_ =	task [dreg:s9], $0x5FFFF  }
0xae: {  	[dreg:$0x1] =	wrdreg $0xFFFFFFFF  }
0xaf: {  	[dreg:$0x0] =	wrdreg $0x60  }
0xb0: {  	[dreg:$0x2] =	wrdreg s2  }
0xb1: {  	[dreg:$0x3] =	wrdreg s18  }
0xb2: {  	[dreg:$0x4] =	wrdreg s4  }
0xb3: {  	[dreg:$0x5] =	wrdreg s24  }
0xb4: {  	[dreg:$0x6] =	wrdreg $0x196000  }
0xb5: {  	[dreg:$0x7] =	wrdreg $0x1B6000  }
0xb6: {  	[dreg:$0x8] =	wrdreg $0x9  }
0xb7: {  	_ =	task.clear_ibuf [dreg:s9], $0x9FFFF;
	_ =	strace $0x90000046  }
0xb8: {  	s29 =	simm.s32 $0x9;
	_ =	strace $0x80000048  }
0xb9: {  	_ =	swait.ge [sflag:s29], $0x1  }
0xba: {  	[sflag:s29] =	ssyncadd.s32 $0xFFFFFFFF  }
0xbb: {  	_ =	strace $0x90000048  }
0xbc: {  	_ =	sfence  }
0xbd: {  	s30 =	sld [smem:$0x0];
	_ =	sdelay $0x2  }
0xbe: {  	s31 =	sshll.u32 s1, $0xD;
	s1 =	sshrl.u32 s1, $0x2  }
0xbf: {  	s3 =	sand.u32 $0x4000, s31;
	s1 =	sadd.s32 s1, s30  }
0xc0: {  	s0 =	sor.u32 s3, s0;
	s1 =	sshll.u32 s1, $0x11  }
0xc1: {  	s0 =	sor.u32 s1, s0  }
0xc2: {  	s0 =	sadd.s32 $0x8F2B, s0  }
0xc3: {  	[sflag:s0] =	ssyncadd.remote.s32 $0x1  }
0xc4: {  	_ =	sfence.sel $0xFFFF  }
0xc5: {  	[dreg:$0x0] =	wrdreg $0xFFFFFFFF;
	(pc) =	sbr.abs _section_cstart, $3  }
0xc6: {  	[dreg:$0x1] =	wrdreg $0xFFFFFFFF  }
0xc7: {  	_ =	task.clear_ibuf [dreg:s9], $0x2FFFF;
	_ =	strace $0x9FFFFFFF  }
0xc8: {  	(tm) =	ssettm $0x7FFFFFFF  }
0xc9: {  	_ =	shalt  }
tec
execute0_lowered:
.L_overlay_start_1:
0x0: {  	(tag) =	ssettag $0x1  }
0x1: {  	s2 =	rddreg [dreg:$0x0]  }
0x2: {  	s1 =	rddreg [dreg:$0x1]  }
0x3: {  	s6 =	rddreg [dreg:$0x2]  }
0x4: {  	s7 =	rddreg [dreg:$0x3]  }
0x5: {  	s3 =	rddreg [dreg:$0x4]  }
0x6: {  	s4 =	rddreg [dreg:$0x5];
	s5 =	simm.s32 $0x0;
	s17 =	stileid.u32  }
0x7: {  	s21 =	srdreg.scid;
	s28 =	simm.s32 $0x19200;
	s31 =	simm.s32 $0x19500  }
0x8: {  	s29 =	simm.s32 $0x0;
	[smem:$0x7FF] =	sst s5;
	s0 =	sshll.u32 s17, $0x3  }
0x9: {  	s9 =	sadd.s32 $0x1A00, s7;
	s22 =	sshll.u32 s17, $0x1;
	s10 =	sshll.u32 s17, $0x6  }
0xa: {  	s12 =	sshll.u32 s17, $0xA;
	_ =	strace $0x80000047;
	s8 =	sadd.s32 s0, s7  }
0xb: {  	[dreg:$0x14] =	wrdreg s9;
	s0 =	sand.u32 $0x1, s21;
	s14 =	sadd.s32 s12, s7  }
0xc: {  	s6 =	sadd.s32 s6, s12;
	s11 =	sshll.u32 s0, $0xA;
	s9 =	sor.u32 s0, s22  }
0xd: {  	s15 =	ssub.s32 $0x2, s0;
	[dreg:$0x1c] =	wrdreg s6;
	s13 =	smul.u32 $0x2710, s9  }
0xe: {  	s8 =	sadd.s32 $0x1C00, s8;
	s11 =	sor.u32 s10, s11;
	s9 =	smul.u32 $0x27100, s9  }
0xf: {  	s16 =	sshrl.u32 s15, $0x1;
	[dreg:$0x1e] =	wrdreg s8;
	s11 =	sshrl.u32 s11, $0x3  }
0x10: {  	s13 =	sshrl.u32 s13, $0x3;
	s7 =	sadd.s32 s11, s7;
	s9 =	sadd.s32 s2, s9  }
0x11: {  	s11 =	ssub.s32 s15, s16;
	s15 =	sor.u32 $0x1C05, s10;
	[dreg:$0x16] =	wrdreg s9  }
0x12: {  	s25 =	smul.u32 $0x4E20, s17;
	s23 =	sadd.s32 s1, s13;
	[dreg:$0x1d] =	wrdreg s15  }
0x13: {  	s30 =	smul.u32 $0x2710, s0;
	s7 =	sadd.s32 $0x1E00, s7;
	[dreg:$0x15] =	wrdreg s23  }
0x14: {  	s26 =	sshll.u32 s17, $0xD;
	s24 =	sadd.s32 $0xA, s23;
	[smem:$0x7FA] =	sst s7  }
0x15: {  	s9 =	sadd.s32 s30, s25;
	s13 =	sadd.s32 $0x14, s23;
	[dreg:$0x17] =	wrdreg s24  }
0x16: {  	s18 =	sadd.s32 $0x1E, s23;
	s16 =	sadd.s32 $0x28, s23;
	[dreg:$0x18] =	wrdreg s13  }
0x17: {  	s20 =	sadd.s32 $0x3C0, s9;
	s23 =	sadd.s32 $0x370, s9;
	[dreg:$0x19] =	wrdreg s18  }
0x18: {  	s25 =	sadd.s32 $0x190, s9;
	[dreg:$0x1a] =	wrdreg s16;
	s13 =	sadd.s32 s26, s3  }
0x19: {  	s16 =	sadd.s32 $0x460, s9;
	s18 =	sadd.s32 $0x410, s9;
	s21 =	sshrl.u32 s20, $0x3  }
0x1a: {  	s24 =	sshrl.u32 s23, $0x3;
	s30 =	sshrl.u32 s25, $0x3;
	s20 =	sadd.s32 $0x1E0, s9  }
0x1b: {  	s23 =	simm.s32 $0xF000;
	s25 =	sadd.s32 $0x320, s9;
	[dreg:$0x1b] =	wrdreg s13  }
0x1c: {  	s13 =	sshll.u32 s0, $0xE;
	s19 =	sshrl.u32 s18, $0x3;
	s22 =	sadd.s32 s21, s1  }
0x1d: {  	s26 =	sadd.s32 s24, s1;
	s18 =	sadd.s32 $0x230, s9;
	s0 =	smul.u32 $0x27100, s0  }
0x1e: {  	s7 =	sshrl.u32 s20, $0x3;
	s21 =	smax.u32 s11, $0x1;
	[dreg:$0x10] =	wrdreg s23  }
0x1f: {  	s24 =	simm.s32 $0x11800;
	[smem:$0x7FD] =	sst s25;
	s23 =	simm.s32 $0x19000  }
0x20: {  	s25 =	simm.s32 $0x19100;
	s11 =	simm.s32 $0x19480;
	[dreg:$0x9] =	wrdreg s22  }
0x21: {  	s20 =	simm.s32 $0x3;
	s6 =	sadd.s32 s13, s14;
	[dreg:$0xa] =	wrdreg s26  }
0x22: {  	s14 =	smul.u32 $0x4E200, s17;
	s17 =	sshrl.u32 s16, $0x3;
	[smem:$0x7FB] =	sst s21  }
0x23: {  	s13 =	sadd.s32 $0x280, s9;
	s22 =	sadd.s32 s7, s1;
	[dreg:$0x11] =	wrdreg s24  }
0x24: {  	s26 =	simm.s32 $0x14000;
	s24 =	simm.s32 $0x19080;
	s21 =	simm.s32 $0x5  }
0x25: {  	s7 =	simm.s32 $0x4;
	s8 =	sadd.s32 s17, s1;
	s17 =	sadd.s32 s10, s4  }
0x26: {  	s6 =	sadd.s32 $0x2000, s6;
	s10 =	sadd.s32 $0x2D0, s9;
	[dreg:$0xf] =	wrdreg s22  }
0x27: {  	[dreg:$0x12] =	wrdreg s26;
	s26 =	simm.s32 $0x19180;
	s22 =	simm.s32 $0x19580  }
0x28: {  	s9 =	simm.s32 $0x19380;
	s2 =	sadd.s32 s14, s2;
	[dreg:$0x7] =	wrdreg s8  }
0x29: {  	s8 =	sadd.s32 s19, s1;
	[smem:$0x7F9] =	sst s6;
	s12 =	sshrl.u32 s10, $0x3  }
0x2a: {  	s14 =	sshrl.u32 s13, $0x3;
	s19 =	sshrl.u32 s18, $0x3;
	[dreg:$0x1f] =	wrdreg s17  }
0x2b: {  	s10 =	simm.s32 $0x19400;
	s18 =	simm.s32 $0xA000;
	[dreg:$0x8] =	wrdreg s8  }
0x2c: {  	s8 =	sadd.s32 s30, s1;
	s6 =	sadd.s32 s12, s1;
	s16 =	sadd.s32 s14, s1  }
0x2d: {  	s0 =	sadd.s32 s0, s2;
	s30 =	simm.s32 $0x16800;
	[dreg:$0xb] =	wrdreg s8  }
0x2e: {  	s2 =	simm.s32 $0xC800;
	s12 =	simm.s32 $0x50;
	[dreg:$0xc] =	wrdreg s6  }
0x2f: {  	s14 =	simm.s32 $0x5000;
	[dreg:$0xd] =	wrdreg s16;
	s6 =	sadd.s32 s19, s1  }
0x30: {  	s0 =	sadd.s32 $0x3200, s0;
	[dreg:$0x13] =	wrdreg s30;
	s8 =	simm.s32 $0x19300  }
0x31: {  	s16 =	simm.s32 $0x7800;
	s19 =	simm.s32 $0x2;
	[dreg:$0xe] =	wrdreg s6  }
0x32: {  	[smem:$0x7FC] =	sst s0;
	s0 =	simm.s32 $0x1;
	s6 =	simm.s32 $0x19280  }
.LBB2_1:
0x33: {  	[smem:$0x7F7] =	sst s29  }
0x34: {  	s13 =	rddreg [dreg:$0x16]  }
0x35: {  	[tilespmem:s5], [sflag:$0x1] =	stream.linear.gather [hbm4b:s13+s5], $0xC800, $0x38;
	[tilespmem:$0x1B640] =	vst v63  }
0x36: {  	s29 =	rddreg [dreg:$0x15]  }
0x37: {  	[tilespmem:s23], [sflag:$0x1] =	stream.linear.gather [hbm4b:s29+s5], $0x50, $0x38;
	[tilespmem:$0x1B640] =	vst v63  }
0x38: {  	s29 =	rddreg [dreg:$0x17]  }
0x39: {  	[tilespmem:s24], [sflag:$0x1] =	stream.linear.gather [hbm4b:s29+s5], $0x50, $0x38;
	[tilespmem:$0x1B640] =	vst v63  }
0x3a: {  	s29 =	rddreg [dreg:$0x18]  }
0x3b: {  	[tilespmem:s25], [sflag:$0x1] =	stream.linear.gather [hbm4b:s29+s5], $0x50, $0x38;
	[tilespmem:$0x1B640] =	vst v63  }
0x3c: {  	s29 =	rddreg [dreg:$0x19]  }
0x3d: {  	[tilespmem:s26], [sflag:$0x1] =	stream.linear.gather [hbm4b:s29+s5], $0x50, $0x38;
	[tilespmem:$0x1B640] =	vst v63  }
0x3e: {  	s29 =	rddreg [dreg:$0x1a]  }
0x3f: {  	[tilespmem:s28], [sflag:$0x1] =	stream.linear.gather [hbm4b:s29+s5], $0x50, $0x38;
	[tilespmem:$0x1B640] =	vst v63  }
0x40: {  	s29 =	rddreg [dreg:$0x1b]  }
0x41: {  	s13 =	rddreg [dreg:$0x1c];
	s29 =	sshrl.u32 s29, $0x3  }
0x42: {  	[smem:$0x7F8] =	sst s29  }
0x43: {  	[spmem:s29], [sflag:s15] =	dma.local [hbm:s13], $0x400  }
0x44: {  	_ =	swait.ge [sflag:s21], $0x400  }
0x45: {  	[sflag:s21] =	ssyncset.done $0x0  }
0x46: {  	s15 =	rddreg [dreg:$0x1e];
	[sflag:s21] =	ssyncadd.s32 $0xFFFFFC00  }
0x47: {  	[tilespmem:s22], [sflag:$0x5] =	stream.linear.gather [hbm4b:s15+s5], $0x40, $0x38;
	[tilespmem:$0x1B640] =	vst v63  }
0x48: {  	_ =	swait.ge [sflag:s21], $0x40  }
0x49: {  	[sflag:s21] =	ssyncset.done $0x0  }
0x4a: {  	[sflag:s21] =	ssyncadd.s32 $0xFFFFFFC0  }
0x4b: {  	[spmem:s17] =	stream.linear.scatter [tilespmem:s22], [sflag:$0x5], $0x40, $0x38;
	[tilespmem:$0x1B640] =	vst v63  }
0x4c: {  	_ =	swait.ge [sflag:s21], $0x40  }
0x4d: {  	[sflag:s21] =	ssyncset.done $0x0  }
0x4e: {  	s17 =	rddreg [dreg:$0x14];
	[sflag:s21] =	ssyncadd.s32 $0xFFFFFFC0  }
0x4f: {  	[tilespmem:s31], [sflag:$0x5] =	stream.linear.gather [hbm4b:s17+s5], $0x80, $0x38;
	[tilespmem:$0x1B640] =	vst v63  }
0x50: {  	_ =	swait.ge [sflag:s21], $0x80  }
0x51: {  	[sflag:s21] =	ssyncset.done $0x0  }
0x52: {  	[sflag:s21] =	ssyncadd.s32 $0xFFFFFF80  }
0x53: {  	[bflag:$0x0] =	sbarrier.arrive $0xFFFF  }
0x54: {  	_ =	swait.ge [sflag:s0], $0xC800  }
0x55: {  	[sflag:s0] =	ssyncset.done $0x0  }
0x56: {  	[sflag:s0] =	ssyncadd.s32 $0xFFFF3800  }
0x57: {  	_ =	swait.ge [sflag:s0], $0x50  }
0x58: {  	[sflag:s0] =	ssyncset.done $0x0  }
0x59: {  	[sflag:s0] =	ssyncadd.s32 $0xFFFFFFB0  }
0x5a: {  	_ =	swait.ge [sflag:s0], $0x50  }
0x5b: {  	[sflag:s0] =	ssyncset.done $0x0  }
0x5c: {  	[sflag:s0] =	ssyncadd.s32 $0xFFFFFFB0  }
0x5d: {  	_ =	swait.ge [sflag:s0], $0x50  }
0x5e: {  	[sflag:s0] =	ssyncset.done $0x0  }
0x5f: {  	[sflag:s0] =	ssyncadd.s32 $0xFFFFFFB0  }
0x60: {  	_ =	swait.ge [sflag:s0], $0x50  }
0x61: {  	[sflag:s0] =	ssyncset.done $0x0  }
0x62: {  	[sflag:s0] =	ssyncadd.s32 $0xFFFFFFB0  }
0x63: {  	_ =	swait.ge [sflag:s0], $0x50  }
0x64: {  	s13 =	sld [smem:$0x7FC];
	_ =	sdelay $0x1  }
0x65: {  	[sflag:s0] =	ssyncset.done $0x0  }
0x66: {  	s22 =	rddreg [dreg:$0xb];
	[sflag:s0] =	ssyncadd.s32 $0xFFFFFFB0;
	s29 =	sadd.s32 $0xFFFFE700, s13  }
0x67: {  	[tilespmem:s2], [sflag:$0x2] =	stream.linear.gather [hbm4b:s29+s5], $0xC800, $0x38;
	[tilespmem:$0x1B640] =	vst v63  }
0x68: {  	s15 =	rddreg [dreg:$0xf];
	s17 =	sadd.s32 $0x0, s22  }
0x69: {  	[tilespmem:s6], [sflag:$0x2] =	stream.linear.gather [hbm4b:s17+s5], $0x50, $0x38;
	[tilespmem:$0x1B640] =	vst v63  }
0x6a: {  	s15 =	sadd.s32 $0x0, s15;
	s29 =	rddreg [dreg:$0xe]  }
0x6b: {  	[tilespmem:s8], [sflag:$0x2] =	stream.linear.gather [hbm4b:s15+s5], $0x50, $0x38;
	[tilespmem:$0x1B640] =	vst v63  }
0x6c: {  	s22 =	rddreg [dreg:$0xd];
	s29 =	sadd.s32 $0x0, s29  }
0x6d: {  	[tilespmem:s9], [sflag:$0x2] =	stream.linear.gather [hbm4b:s29+s5], $0x50, $0x38;
	[tilespmem:$0x1B640] =	vst v63  }
0x6e: {  	s15 =	rddreg [dreg:$0xc];
	s29 =	sadd.s32 $0x0, s22  }
0x6f: {  	[tilespmem:s10], [sflag:$0x2] =	stream.linear.gather [hbm4b:s29+s5], $0x50, $0x38;
	[tilespmem:$0x1B640] =	vst v63  }
0x70: {  	s15 =	sadd.s32 $0x0, s15  }
0x71: {  	[tilespmem:s11], [sflag:$0x2] =	stream.linear.gather [hbm4b:s15+s5], $0x50, $0x38;
	[tilespmem:$0x1B640] =	vst v63  }
0x72: {  	_ = 	snop  }
0x73: {  	[spmem:s3] =	stream.indirect.scatter.add.f32 [tilespmem:s5], [sflag:$0x3], $0x80, s23, s12, $0xb8;
	[tilespmem:$0x1B640] =	vst v63  }
0x74: {  	_ = 	snop  }
0x75: {  	[spmem:s4] =	stream.indirect.scatter.add.f32 [tilespmem:s31], [sflag:$0x3], $0x1, s23, s12, $0xb8;
	[tilespmem:$0x1B640] =	vst v63  }
0x76: {  	s17 =	simm.s32 $0x2800  }
0x77: {  	[spmem:s3] =	stream.indirect.scatter.add.f32 [tilespmem:s17], [sflag:$0x3], $0x80, s24, s12, $0xb8;
	[tilespmem:$0x1B640] =	vst v63  }
0x78: {  	_ = 	snop  }
0x79: {  	[spmem:s4] =	stream.indirect.scatter.add.f32 [tilespmem:s31], [sflag:$0x3], $0x1, s24, s12, $0xb8;
	[tilespmem:$0x1B640] =	vst v63  }
0x7a: {  	_ = 	snop  }
0x7b: {  	[spmem:s3] =	stream.indirect.scatter.add.f32 [tilespmem:s14], [sflag:$0x3], $0x80, s25, s12, $0xb8;
	[tilespmem:$0x1B640] =	vst v63  }
0x7c: {  	_ = 	snop  }
0x7d: {  	[spmem:s4] =	stream.indirect.scatter.add.f32 [tilespmem:s31], [sflag:$0x3], $0x1, s25, s12, $0xb8;
	[tilespmem:$0x1B640] =	vst v63  }
0x7e: {  	_ = 	snop  }
0x7f: {  	[spmem:s3] =	stream.indirect.scatter.add.f32 [tilespmem:s16], [sflag:$0x3], $0x80, s26, s12, $0xb8;
	[tilespmem:$0x1B640] =	vst v63  }
0x80: {  	_ = 	snop  }
0x81: {  	[spmem:s4] =	stream.indirect.scatter.add.f32 [tilespmem:s31], [sflag:$0x3], $0x1, s26, s12, $0xb8;
	[tilespmem:$0x1B640] =	vst v63  }
0x82: {  	_ = 	snop  }
0x83: {  	[spmem:s3] =	stream.indirect.scatter.add.f32 [tilespmem:s18], [sflag:$0x3], $0x80, s28, s12, $0xb8;
	[tilespmem:$0x1B640] =	vst v63  }
0x84: {  	_ = 	snop  }
0x85: {  	[spmem:s4] =	stream.indirect.scatter.add.f32 [tilespmem:s31], [sflag:$0x3], $0x1, s28, s12, $0xb8;
	[tilespmem:$0x1B640] =	vst v63  }
0x86: {  	_ =	swait.ge [sflag:s19], $0xC800  }
0x87: {  	[sflag:s19] =	ssyncset.done $0x0  }
0x88: {  	[sflag:s19] =	ssyncadd.s32 $0xFFFF3800  }
0x89: {  	_ =	swait.ge [sflag:s19], $0x50  }
0x8a: {  	[sflag:s19] =	ssyncset.done $0x0  }
0x8b: {  	[sflag:s19] =	ssyncadd.s32 $0xFFFFFFB0  }
0x8c: {  	_ =	swait.ge [sflag:s19], $0x50  }
0x8d: {  	[sflag:s19] =	ssyncset.done $0x0  }
0x8e: {  	[sflag:s19] =	ssyncadd.s32 $0xFFFFFFB0  }
0x8f: {  	_ =	swait.ge [sflag:s19], $0x50  }
0x90: {  	[sflag:s19] =	ssyncset.done $0x0  }
0x91: {  	[sflag:s19] =	ssyncadd.s32 $0xFFFFFFB0  }
0x92: {  	_ =	swait.ge [sflag:s19], $0x50  }
0x93: {  	[sflag:s19] =	ssyncset.done $0x0  }
0x94: {  	[sflag:s19] =	ssyncadd.s32 $0xFFFFFFB0  }
0x95: {  	_ =	swait.ge [sflag:s19], $0x50  }
0x96: {  	[sflag:s19] =	ssyncset.done $0x0  }
0x97: {  	[sflag:s19] =	ssyncadd.s32 $0xFFFFFFB0  }
0x98: {  	_ =	swait.ge [sflag:s20], $0x2800  }
0x99: {  	[sflag:s20] =	ssyncset.done $0x0  }
0x9a: {  	[sflag:s20] =	ssyncadd.s32 $0xFFFFD800  }
0x9b: {  	_ =	swait.ge [sflag:s20], $0x50  }
0x9c: {  	[sflag:s20] =	ssyncset.done $0x0  }
0x9d: {  	[sflag:s20] =	ssyncadd.s32 $0xFFFFFFB0  }
0x9e: {  	_ =	swait.ge [sflag:s20], $0x2800  }
0x9f: {  	[sflag:s20] =	ssyncset.done $0x0  }
0xa0: {  	[sflag:s20] =	ssyncadd.s32 $0xFFFFD800  }
0xa1: {  	_ =	swait.ge [sflag:s20], $0x50  }
0xa2: {  	[sflag:s20] =	ssyncset.done $0x0  }
0xa3: {  	[sflag:s20] =	ssyncadd.s32 $0xFFFFFFB0  }
0xa4: {  	_ =	swait.ge [sflag:s20], $0x2800  }
0xa5: {  	[sflag:s20] =	ssyncset.done $0x0  }
0xa6: {  	[sflag:s20] =	ssyncadd.s32 $0xFFFFD800  }
0xa7: {  	_ =	swait.ge [sflag:s20], $0x50  }
0xa8: {  	[sflag:s20] =	ssyncset.done $0x0  }
0xa9: {  	[sflag:s20] =	ssyncadd.s32 $0xFFFFFFB0  }
0xaa: {  	_ =	swait.ge [sflag:s20], $0x2800  }
0xab: {  	[sflag:s20] =	ssyncset.done $0x0  }
0xac: {  	[sflag:s20] =	ssyncadd.s32 $0xFFFFD800  }
0xad: {  	_ =	swait.ge [sflag:s20], $0x50  }
0xae: {  	[sflag:s20] =	ssyncset.done $0x0  }
0xaf: {  	[sflag:s20] =	ssyncadd.s32 $0xFFFFFFB0  }
0xb0: {  	_ =	swait.ge [sflag:s20], $0x2800  }
0xb1: {  	[sflag:s20] =	ssyncset.done $0x0  }
0xb2: {  	[sflag:s20] =	ssyncadd.s32 $0xFFFFD800  }
0xb3: {  	_ =	swait.ge [sflag:s20], $0x50  }
0xb4: {  	[sflag:s20] =	ssyncset.done $0x0;
	s30 =	sld [smem:$0x7FD]  }
0xb5: {  	[sflag:s20] =	ssyncadd.s32 $0xFFFFFFB0  }
0xb6: {  	[tilespmem:s5], [sflag:$0x1] =	stream.linear.gather [hbm4b:s13+s5], $0xC800, $0x38;
	[tilespmem:$0x1B640] =	vst v63  }
0xb7: {  	s21 =	sshrl.u32 s30, $0x3  }
0xb8: {  	s22 =	rddreg [dreg:$0xa];
	s17 =	sadd.s32 s1, s21  }
0xb9: {  	[tilespmem:s23], [sflag:$0x1] =	stream.linear.gather [hbm4b:s17+s5], $0x50, $0x38;
	[tilespmem:$0x1B640] =	vst v63  }
0xba: {  	s29 =	rddreg [dreg:$0x9];
	s15 =	sadd.s32 $0x0, s22  }
0xbb: {  	[tilespmem:s24], [sflag:$0x1] =	stream.linear.gather [hbm4b:s15+s5], $0x50, $0x38;
	[tilespmem:$0x1B640] =	vst v63  }
0xbc: {  	s29 =	sadd.s32 $0x0, s29;
	s21 =	rddreg [dreg:$0x8]  }
0xbd: {  	[tilespmem:s25], [sflag:$0x1] =	stream.linear.gather [hbm4b:s29+s5], $0x50, $0x38;
	[tilespmem:$0x1B640] =	vst v63  }
0xbe: {  	s21 =	sadd.s32 $0x0, s21;
	s15 =	rddreg [dreg:$0x7]  }
0xbf: {  	[tilespmem:s26], [sflag:$0x1] =	stream.linear.gather [hbm4b:s21+s5], $0x50, $0x38;
	[tilespmem:$0x1B640] =	vst v63  }
0xc0: {  	s29 =	sadd.s32 $0x0, s15  }
0xc1: {  	[tilespmem:s28], [sflag:$0x1] =	stream.linear.gather [hbm4b:s29+s5], $0x50, $0x38;
	[tilespmem:$0x1B640] =	vst v63  }
0xc2: {  	_ = 	snop  }
0xc3: {  	[spmem:s3] =	stream.indirect.scatter.add.f32 [tilespmem:s2], [sflag:$0x4], $0x80, s6, s12, $0xb8;
	[tilespmem:$0x1B640] =	vst v63  }
0xc4: {  	_ = 	snop  }
0xc5: {  	[spmem:s4] =	stream.indirect.scatter.add.f32 [tilespmem:s31], [sflag:$0x4], $0x1, s6, s12, $0xb8;
	[tilespmem:$0x1B640] =	vst v63  }
0xc6: {  	s15 =	rddreg [dreg:$0x10]  }
0xc7: {  	[spmem:s3] =	stream.indirect.scatter.add.f32 [tilespmem:s15], [sflag:$0x4], $0x80, s8, s12, $0xb8;
	[tilespmem:$0x1B640] =	vst v63  }
0xc8: {  	_ = 	snop  }
0xc9: {  	[spmem:s4] =	stream.indirect.scatter.add.f32 [tilespmem:s31], [sflag:$0x4], $0x1, s8, s12, $0xb8;
	[tilespmem:$0x1B640] =	vst v63  }
0xca: {  	s21 =	rddreg [dreg:$0x11]  }
0xcb: {  	[spmem:s3] =	stream.indirect.scatter.add.f32 [tilespmem:s21], [sflag:$0x4], $0x80, s9, s12, $0xb8;
	[tilespmem:$0x1B640] =	vst v63  }
0xcc: {  	_ = 	snop  }
0xcd: {  	[spmem:s4] =	stream.indirect.scatter.add.f32 [tilespmem:s31], [sflag:$0x4], $0x1, s9, s12, $0xb8;
	[tilespmem:$0x1B640] =	vst v63  }
0xce: {  	s22 =	rddreg [dreg:$0x12]  }
0xcf: {  	[spmem:s3] =	stream.indirect.scatter.add.f32 [tilespmem:s22], [sflag:$0x4], $0x80, s10, s12, $0xb8;
	[tilespmem:$0x1B640] =	vst v63  }
0xd0: {  	_ = 	snop  }
0xd1: {  	[spmem:s4] =	stream.indirect.scatter.add.f32 [tilespmem:s31], [sflag:$0x4], $0x1, s10, s12, $0xb8;
	[tilespmem:$0x1B640] =	vst v63  }
0xd2: {  	s29 =	rddreg [dreg:$0x13]  }
0xd3: {  	[spmem:s3] =	stream.indirect.scatter.add.f32 [tilespmem:s29], [sflag:$0x4], $0x80, s11, s12, $0xb8;
	[tilespmem:$0x1B640] =	vst v63  }
0xd4: {  	_ = 	snop  }
0xd5: {  	[spmem:s4] =	stream.indirect.scatter.add.f32 [tilespmem:s31], [sflag:$0x4], $0x1, s11, s12, $0xb8;
	[tilespmem:$0x1B640] =	vst v63  }
0xd6: {  	_ =	swait.ge [sflag:s7], $0x2800  }
0xd7: {  	[sflag:s7] =	ssyncset.done $0x0  }
0xd8: {  	[sflag:s7] =	ssyncadd.s32 $0xFFFFD800  }
0xd9: {  	_ =	swait.ge [sflag:s7], $0x50  }
0xda: {  	[sflag:s7] =	ssyncset.done $0x0  }
0xdb: {  	[sflag:s7] =	ssyncadd.s32 $0xFFFFFFB0  }
0xdc: {  	_ =	swait.ge [sflag:s7], $0x2800  }
0xdd: {  	[sflag:s7] =	ssyncset.done $0x0  }
0xde: {  	[sflag:s7] =	ssyncadd.s32 $0xFFFFD800  }
0xdf: {  	_ =	swait.ge [sflag:s7], $0x50  }
0xe0: {  	[sflag:s7] =	ssyncset.done $0x0  }
0xe1: {  	[sflag:s7] =	ssyncadd.s32 $0xFFFFFFB0  }
0xe2: {  	_ =	swait.ge [sflag:s7], $0x2800  }
0xe3: {  	[sflag:s7] =	ssyncset.done $0x0  }
0xe4: {  	[sflag:s7] =	ssyncadd.s32 $0xFFFFD800  }
0xe5: {  	_ =	swait.ge [sflag:s7], $0x50  }
0xe6: {  	[sflag:s7] =	ssyncset.done $0x0  }
0xe7: {  	[sflag:s7] =	ssyncadd.s32 $0xFFFFFFB0  }
0xe8: {  	_ =	swait.ge [sflag:s7], $0x2800  }
0xe9: {  	[sflag:s7] =	ssyncset.done $0x0  }
0xea: {  	[sflag:s7] =	ssyncadd.s32 $0xFFFFD800  }
0xeb: {  	_ =	swait.ge [sflag:s7], $0x50  }
0xec: {  	[sflag:s7] =	ssyncset.done $0x0  }
0xed: {  	[sflag:s7] =	ssyncadd.s32 $0xFFFFFFB0  }
0xee: {  	_ =	swait.ge [sflag:s7], $0x2800  }
0xef: {  	[sflag:s7] =	ssyncset.done $0x0  }
0xf0: {  	[sflag:s7] =	ssyncadd.s32 $0xFFFFD800  }
0xf1: {  	s21 =	smov.u32 s13;
	_ =	swait.ge [sflag:s7], $0x50  }
0xf2: {  	s13 =	smov.u32 s1;
	s22 =	simm.s32 $0x64;
	[sflag:s7] =	ssyncset.done $0x0  }
.LBB2_2:
0xf3: {  	[sflag:s7] =	ssyncadd.s32 $0xFFFFFFB0  }
0xf4: {  	_ =	swait.ge [sflag:s0], $0xC800  }
0xf5: {  	[sflag:s0] =	ssyncset.done $0x0  }
0xf6: {  	[sflag:s0] =	ssyncadd.s32 $0xFFFF3800  }
0xf7: {  	_ =	swait.ge [sflag:s0], $0x50  }
0xf8: {  	[sflag:s0] =	ssyncset.done $0x0  }
0xf9: {  	[sflag:s0] =	ssyncadd.s32 $0xFFFFFFB0  }
0xfa: {  	_ =	swait.ge [sflag:s0], $0x50  }
0xfb: {  	[sflag:s0] =	ssyncset.done $0x0  }
0xfc: {  	[sflag:s0] =	ssyncadd.s32 $0xFFFFFFB0  }
0xfd: {  	_ =	swait.ge [sflag:s0], $0x50  }
0xfe: {  	[sflag:s0] =	ssyncset.done $0x0  }
0xff: {  	[sflag:s0] =	ssyncadd.s32 $0xFFFFFFB0  }
0x100: {  	_ =	swait.ge [sflag:s0], $0x50  }
0x101: {  	[sflag:s0] =	ssyncset.done $0x0  }
0x102: {  	[sflag:s0] =	ssyncadd.s32 $0xFFFFFFB0  }
0x103: {  	_ =	swait.ge [sflag:s0], $0x50  }
0x104: {  	s21 =	sadd.s32 $0x3200, s21;
	s17 =	smov.u32 s22;
	[sflag:s0] =	ssyncset.done $0x0  }
0x105: {  	s29 =	sadd.s32 $0xFFFFE700, s21;
	s15 =	rddreg [dreg:$0xb];
	[sflag:s0] =	ssyncadd.s32 $0xFFFFFFB0  }
0x106: {  	[tilespmem:s2], [sflag:$0x2] =	stream.linear.gather [hbm4b:s29+s5], $0xC800, $0x38;
	[tilespmem:$0x1B640] =	vst v63  }
0x107: {  	s1 =	rddreg [dreg:$0xf];
	s15 =	sadd.s32 s17, s15  }
0x108: {  	[tilespmem:s6], [sflag:$0x2] =	stream.linear.gather [hbm4b:s15+s5], $0x50, $0x38;
	[tilespmem:$0x1B640] =	vst v63  }
0x109: {  	s1 =	sadd.s32 s17, s1;
	s29 =	rddreg [dreg:$0xe]  }
0x10a: {  	[tilespmem:s8], [sflag:$0x2] =	stream.linear.gather [hbm4b:s1+s5], $0x50, $0x38;
	[tilespmem:$0x1B640] =	vst v63  }
0x10b: {  	s15 =	rddreg [dreg:$0xd];
	s1 =	sadd.s32 s17, s29  }
0x10c: {  	[tilespmem:s9], [sflag:$0x2] =	stream.linear.gather [hbm4b:s1+s5], $0x50, $0x38;
	[tilespmem:$0x1B640] =	vst v63  }
0x10d: {  	s15 =	sadd.s32 s17, s15;
	s29 =	rddreg [dreg:$0xc]  }
0x10e: {  	[tilespmem:s10], [sflag:$0x2] =	stream.linear.gather [hbm4b:s15+s5], $0x50, $0x38;
	[tilespmem:$0x1B640] =	vst v63  }
0x10f: {  	s29 =	sadd.s32 s17, s29  }
0x110: {  	[tilespmem:s11], [sflag:$0x2] =	stream.linear.gather [hbm4b:s29+s5], $0x50, $0x38;
	[tilespmem:$0x1B640] =	vst v63  }
0x111: {  	_ = 	snop  }
0x112: {  	[spmem:s3] =	stream.indirect.scatter.add.f32 [tilespmem:s5], [sflag:$0x3], $0x80, s23, s12, $0xb8;
	[tilespmem:$0x1B640] =	vst v63  }
0x113: {  	_ = 	snop  }
0x114: {  	[spmem:s4] =	stream.indirect.scatter.add.f32 [tilespmem:s31], [sflag:$0x3], $0x1, s23, s12, $0xb8;
	[tilespmem:$0x1B640] =	vst v63  }
0x115: {  	s15 =	simm.s32 $0x2800  }
0x116: {  	[spmem:s3] =	stream.indirect.scatter.add.f32 [tilespmem:s15], [sflag:$0x3], $0x80, s24, s12, $0xb8;
	[tilespmem:$0x1B640] =	vst v63  }
0x117: {  	_ = 	snop  }
0x118: {  	[spmem:s4] =	stream.indirect.scatter.add.f32 [tilespmem:s31], [sflag:$0x3], $0x1, s24, s12, $0xb8;
	[tilespmem:$0x1B640] =	vst v63  }
0x119: {  	_ = 	snop  }
0x11a: {  	[spmem:s3] =	stream.indirect.scatter.add.f32 [tilespmem:s14], [sflag:$0x3], $0x80, s25, s12, $0xb8;
	[tilespmem:$0x1B640] =	vst v63  }
0x11b: {  	_ = 	snop  }
0x11c: {  	[spmem:s4] =	stream.indirect.scatter.add.f32 [tilespmem:s31], [sflag:$0x3], $0x1, s25, s12, $0xb8;
	[tilespmem:$0x1B640] =	vst v63  }
0x11d: {  	_ = 	snop  }
0x11e: {  	[spmem:s3] =	stream.indirect.scatter.add.f32 [tilespmem:s16], [sflag:$0x3], $0x80, s26, s12, $0xb8;
	[tilespmem:$0x1B640] =	vst v63  }
0x11f: {  	_ = 	snop  }
0x120: {  	[spmem:s4] =	stream.indirect.scatter.add.f32 [tilespmem:s31], [sflag:$0x3], $0x1, s26, s12, $0xb8;
	[tilespmem:$0x1B640] =	vst v63  }
0x121: {  	_ = 	snop  }
0x122: {  	[spmem:s3] =	stream.indirect.scatter.add.f32 [tilespmem:s18], [sflag:$0x3], $0x80, s28, s12, $0xb8;
	[tilespmem:$0x1B640] =	vst v63  }
0x123: {  	_ = 	snop  }
0x124: {  	[spmem:s4] =	stream.indirect.scatter.add.f32 [tilespmem:s31], [sflag:$0x3], $0x1, s28, s12, $0xb8;
	[tilespmem:$0x1B640] =	vst v63  }
0x125: {  	_ =	swait.ge [sflag:s19], $0xC800  }
0x126: {  	[sflag:s19] =	ssyncset.done $0x0  }
0x127: {  	[sflag:s19] =	ssyncadd.s32 $0xFFFF3800  }
0x128: {  	_ =	swait.ge [sflag:s19], $0x50  }
0x129: {  	[sflag:s19] =	ssyncset.done $0x0  }
0x12a: {  	[sflag:s19] =	ssyncadd.s32 $0xFFFFFFB0  }
0x12b: {  	_ =	swait.ge [sflag:s19], $0x50  }
0x12c: {  	[sflag:s19] =	ssyncset.done $0x0  }
0x12d: {  	[sflag:s19] =	ssyncadd.s32 $0xFFFFFFB0  }
0x12e: {  	_ =	swait.ge [sflag:s19], $0x50  }
0x12f: {  	[sflag:s19] =	ssyncset.done $0x0  }
0x130: {  	[sflag:s19] =	ssyncadd.s32 $0xFFFFFFB0  }
0x131: {  	_ =	swait.ge [sflag:s19], $0x50  }
0x132: {  	[sflag:s19] =	ssyncset.done $0x0  }
0x133: {  	[sflag:s19] =	ssyncadd.s32 $0xFFFFFFB0  }
0x134: {  	_ =	swait.ge [sflag:s19], $0x50  }
0x135: {  	[sflag:s19] =	ssyncset.done $0x0  }
0x136: {  	[sflag:s19] =	ssyncadd.s32 $0xFFFFFFB0  }
0x137: {  	_ =	swait.ge [sflag:s20], $0x2800  }
0x138: {  	[sflag:s20] =	ssyncset.done $0x0  }
0x139: {  	[sflag:s20] =	ssyncadd.s32 $0xFFFFD800  }
0x13a: {  	_ =	swait.ge [sflag:s20], $0x50  }
0x13b: {  	[sflag:s20] =	ssyncset.done $0x0  }
0x13c: {  	[sflag:s20] =	ssyncadd.s32 $0xFFFFFFB0  }
0x13d: {  	_ =	swait.ge [sflag:s20], $0x2800  }
0x13e: {  	[sflag:s20] =	ssyncset.done $0x0  }
0x13f: {  	[sflag:s20] =	ssyncadd.s32 $0xFFFFD800  }
0x140: {  	_ =	swait.ge [sflag:s20], $0x50  }
0x141: {  	[sflag:s20] =	ssyncset.done $0x0  }
0x142: {  	[sflag:s20] =	ssyncadd.s32 $0xFFFFFFB0  }
0x143: {  	_ =	swait.ge [sflag:s20], $0x2800  }
0x144: {  	[sflag:s20] =	ssyncset.done $0x0  }
0x145: {  	[sflag:s20] =	ssyncadd.s32 $0xFFFFD800  }
0x146: {  	_ =	swait.ge [sflag:s20], $0x50  }
0x147: {  	[sflag:s20] =	ssyncset.done $0x0  }
0x148: {  	[sflag:s20] =	ssyncadd.s32 $0xFFFFFFB0  }
0x149: {  	_ =	swait.ge [sflag:s20], $0x2800  }
0x14a: {  	[sflag:s20] =	ssyncset.done $0x0  }
0x14b: {  	[sflag:s20] =	ssyncadd.s32 $0xFFFFD800  }
0x14c: {  	_ =	swait.ge [sflag:s20], $0x50  }
0x14d: {  	[sflag:s20] =	ssyncset.done $0x0  }
0x14e: {  	[sflag:s20] =	ssyncadd.s32 $0xFFFFFFB0  }
0x14f: {  	_ =	swait.ge [sflag:s20], $0x2800  }
0x150: {  	[sflag:s20] =	ssyncset.done $0x0  }
0x151: {  	[sflag:s20] =	ssyncadd.s32 $0xFFFFD800  }
0x152: {  	_ =	swait.ge [sflag:s20], $0x50  }
0x153: {  	s30 =	sadd.s32 $0x320, s30;
	[sflag:s20] =	ssyncset.done $0x0  }
0x154: {  	s29 =	sshrl.u32 s30, $0x3;
	[sflag:s20] =	ssyncadd.s32 $0xFFFFFFB0  }
0x155: {  	[tilespmem:s5], [sflag:$0x1] =	stream.linear.gather [hbm4b:s21+s5], $0xC800, $0x38;
	[tilespmem:$0x1B640] =	vst v63  }
0x156: {  	s1 =	sadd.s32 s13, s29;
	s15 =	rddreg [dreg:$0xa]  }
0x157: {  	[tilespmem:s23], [sflag:$0x1] =	stream.linear.gather [hbm4b:s1+s5], $0x50, $0x38;
	[tilespmem:$0x1B640] =	vst v63  }
0x158: {  	s29 =	rddreg [dreg:$0x9];
	s1 =	sadd.s32 s17, s15  }
0x159: {  	[tilespmem:s24], [sflag:$0x1] =	stream.linear.gather [hbm4b:s1+s5], $0x50, $0x38;
	[tilespmem:$0x1B640] =	vst v63  }
0x15a: {  	s15 =	rddreg [dreg:$0x8];
	s1 =	sadd.s32 s17, s29  }
0x15b: {  	[tilespmem:s25], [sflag:$0x1] =	stream.linear.gather [hbm4b:s1+s5], $0x50, $0x38;
	[tilespmem:$0x1B640] =	vst v63  }
0x15c: {  	s15 =	sadd.s32 s17, s15;
	s29 =	rddreg [dreg:$0x7]  }
0x15d: {  	[tilespmem:s26], [sflag:$0x1] =	stream.linear.gather [hbm4b:s15+s5], $0x50, $0x38;
	[tilespmem:$0x1B640] =	vst v63  }
0x15e: {  	s17 =	sadd.s32 s17, s29  }
0x15f: {  	[tilespmem:s28], [sflag:$0x1] =	stream.linear.gather [hbm4b:s17+s5], $0x50, $0x38;
	[tilespmem:$0x1B640] =	vst v63  }
0x160: {  	_ = 	snop  }
0x161: {  	[spmem:s3] =	stream.indirect.scatter.add.f32 [tilespmem:s2], [sflag:$0x4], $0x80, s6, s12, $0xb8;
	[tilespmem:$0x1B640] =	vst v63  }
0x162: {  	_ = 	snop  }
0x163: {  	[spmem:s4] =	stream.indirect.scatter.add.f32 [tilespmem:s31], [sflag:$0x4], $0x1, s6, s12, $0xb8;
	[tilespmem:$0x1B640] =	vst v63  }
0x164: {  	s29 =	rddreg [dreg:$0x10]  }
0x165: {  	[spmem:s3] =	stream.indirect.scatter.add.f32 [tilespmem:s29], [sflag:$0x4], $0x80, s8, s12, $0xb8;
	[tilespmem:$0x1B640] =	vst v63  }
0x166: {  	_ = 	snop  }
0x167: {  	[spmem:s4] =	stream.indirect.scatter.add.f32 [tilespmem:s31], [sflag:$0x4], $0x1, s8, s12, $0xb8;
	[tilespmem:$0x1B640] =	vst v63  }
0x168: {  	s15 =	rddreg [dreg:$0x11]  }
0x169: {  	[spmem:s3] =	stream.indirect.scatter.add.f32 [tilespmem:s15], [sflag:$0x4], $0x80, s9, s12, $0xb8;
	[tilespmem:$0x1B640] =	vst v63  }
0x16a: {  	_ = 	snop  }
0x16b: {  	[spmem:s4] =	stream.indirect.scatter.add.f32 [tilespmem:s31], [sflag:$0x4], $0x1, s9, s12, $0xb8;
	[tilespmem:$0x1B640] =	vst v63  }
0x16c: {  	s17 =	rddreg [dreg:$0x12]  }
0x16d: {  	[spmem:s3] =	stream.indirect.scatter.add.f32 [tilespmem:s17], [sflag:$0x4], $0x80, s10, s12, $0xb8;
	[tilespmem:$0x1B640] =	vst v63  }
0x16e: {  	_ = 	snop  }
0x16f: {  	[spmem:s4] =	stream.indirect.scatter.add.f32 [tilespmem:s31], [sflag:$0x4], $0x1, s10, s12, $0xb8;
	[tilespmem:$0x1B640] =	vst v63  }
0x170: {  	s29 =	rddreg [dreg:$0x13]  }
0x171: {  	[spmem:s3] =	stream.indirect.scatter.add.f32 [tilespmem:s29], [sflag:$0x4], $0x80, s11, s12, $0xb8;
	[tilespmem:$0x1B640] =	vst v63  }
0x172: {  	_ = 	snop  }
0x173: {  	[spmem:s4] =	stream.indirect.scatter.add.f32 [tilespmem:s31], [sflag:$0x4], $0x1, s11, s12, $0xb8;
	[tilespmem:$0x1B640] =	vst v63  }
0x174: {  	_ =	swait.ge [sflag:s7], $0x2800  }
0x175: {  	[sflag:s7] =	ssyncset.done $0x0  }
0x176: {  	[sflag:s7] =	ssyncadd.s32 $0xFFFFD800  }
0x177: {  	_ =	swait.ge [sflag:s7], $0x50  }
0x178: {  	[sflag:s7] =	ssyncset.done $0x0  }
0x179: {  	[sflag:s7] =	ssyncadd.s32 $0xFFFFFFB0  }
0x17a: {  	_ =	swait.ge [sflag:s7], $0x2800  }
0x17b: {  	[sflag:s7] =	ssyncset.done $0x0  }
0x17c: {  	[sflag:s7] =	ssyncadd.s32 $0xFFFFD800  }
0x17d: {  	_ =	swait.ge [sflag:s7], $0x50  }
0x17e: {  	[sflag:s7] =	ssyncset.done $0x0  }
0x17f: {  	[sflag:s7] =	ssyncadd.s32 $0xFFFFFFB0  }
0x180: {  	_ =	swait.ge [sflag:s7], $0x2800  }
0x181: {  	[sflag:s7] =	ssyncset.done $0x0  }
0x182: {  	[sflag:s7] =	ssyncadd.s32 $0xFFFFD800  }
0x183: {  	_ =	swait.ge [sflag:s7], $0x50  }
0x184: {  	[sflag:s7] =	ssyncset.done $0x0  }
0x185: {  	[sflag:s7] =	ssyncadd.s32 $0xFFFFFFB0  }
0x186: {  	_ =	swait.ge [sflag:s7], $0x2800  }
0x187: {  	[sflag:s7] =	ssyncset.done $0x0  }
0x188: {  	[sflag:s7] =	ssyncadd.s32 $0xFFFFD800  }
0x189: {  	_ =	swait.ge [sflag:s7], $0x50  }
0x18a: {  	[sflag:s7] =	ssyncset.done $0x0  }
0x18b: {  	p0 =	sne.s32 s22, $0x44C;
	[sflag:s7] =	ssyncadd.s32 $0xFFFFFFB0  }
.Ltmp0:
0x18c: {  	_ =	swait.ge [sflag:s7], $0x2800;
	(pc) =	sbr.rel @p0 .LBB2_2-.Ltmp0, $4  }
0x18d: {  	[sflag:s7] =	ssyncset.done $0x0  }
0x18e: {  	[sflag:s7] =	ssyncadd.s32 $0xFFFFD800  }
0x18f: {  	_ =	swait.ge [sflag:s7], $0x50  }
0x190: {  	s22 =	sadd.s32 $0x64, s22;
	[sflag:s7] =	ssyncset.done $0x0  }
0x191: {  	[sflag:s7] =	ssyncadd.s32 $0xFFFFFFB0  }
0x192: {  	_ =	swait.ge [sflag:s0], $0xC800  }
0x193: {  	[sflag:s0] =	ssyncset.done $0x0  }
0x194: {  	[sflag:s0] =	ssyncadd.s32 $0xFFFF3800  }
0x195: {  	_ =	swait.ge [sflag:s0], $0x50  }
0x196: {  	[sflag:s0] =	ssyncset.done $0x0  }
0x197: {  	[sflag:s0] =	ssyncadd.s32 $0xFFFFFFB0  }
0x198: {  	_ =	swait.ge [sflag:s0], $0x50  }
0x199: {  	[sflag:s0] =	ssyncset.done $0x0  }
0x19a: {  	[sflag:s0] =	ssyncadd.s32 $0xFFFFFFB0  }
0x19b: {  	_ =	swait.ge [sflag:s0], $0x50  }
0x19c: {  	[sflag:s0] =	ssyncset.done $0x0  }
0x19d: {  	[sflag:s0] =	ssyncadd.s32 $0xFFFFFFB0  }
0x19e: {  	_ =	swait.ge [sflag:s0], $0x50  }
0x19f: {  	[sflag:s0] =	ssyncset.done $0x0  }
0x1a0: {  	[sflag:s0] =	ssyncadd.s32 $0xFFFFFFB0  }
0x1a1: {  	_ =	swait.ge [sflag:s0], $0x50  }
0x1a2: {  	[sflag:s0] =	ssyncset.done $0x0  }
0x1a3: {  	[sflag:s0] =	ssyncadd.s32 $0xFFFFFFB0  }
0x1a4: {  	[spmem:s3] =	stream.indirect.scatter.add.f32 [tilespmem:s5], [sflag:$0x3], $0x80, s23, s12, $0xb8;
	[tilespmem:$0x1B640] =	vst v63  }
0x1a5: {  	_ = 	snop  }
0x1a6: {  	[spmem:s4] =	stream.indirect.scatter.add.f32 [tilespmem:s31], [sflag:$0x3], $0x1, s23, s12, $0xb8;
	[tilespmem:$0x1B640] =	vst v63  }
0x1a7: {  	s1 =	simm.s32 $0x2800  }
0x1a8: {  	[spmem:s3] =	stream.indirect.scatter.add.f32 [tilespmem:s1], [sflag:$0x3], $0x80, s24, s12, $0xb8;
	[tilespmem:$0x1B640] =	vst v63  }
0x1a9: {  	_ = 	snop  }
0x1aa: {  	[spmem:s4] =	stream.indirect.scatter.add.f32 [tilespmem:s31], [sflag:$0x3], $0x1, s24, s12, $0xb8;
	[tilespmem:$0x1B640] =	vst v63  }
0x1ab: {  	_ = 	snop  }
0x1ac: {  	[spmem:s3] =	stream.indirect.scatter.add.f32 [tilespmem:s14], [sflag:$0x3], $0x80, s25, s12, $0xb8;
	[tilespmem:$0x1B640] =	vst v63  }
0x1ad: {  	_ = 	snop  }
0x1ae: {  	[spmem:s4] =	stream.indirect.scatter.add.f32 [tilespmem:s31], [sflag:$0x3], $0x1, s25, s12, $0xb8;
	[tilespmem:$0x1B640] =	vst v63  }
0x1af: {  	_ = 	snop  }
0x1b0: {  	[spmem:s3] =	stream.indirect.scatter.add.f32 [tilespmem:s16], [sflag:$0x3], $0x80, s26, s12, $0xb8;
	[tilespmem:$0x1B640] =	vst v63  }
0x1b1: {  	_ = 	snop  }
0x1b2: {  	[spmem:s4] =	stream.indirect.scatter.add.f32 [tilespmem:s31], [sflag:$0x3], $0x1, s26, s12, $0xb8;
	[tilespmem:$0x1B640] =	vst v63  }
0x1b3: {  	_ = 	snop  }
0x1b4: {  	[spmem:s3] =	stream.indirect.scatter.add.f32 [tilespmem:s18], [sflag:$0x3], $0x80, s28, s12, $0xb8;
	[tilespmem:$0x1B640] =	vst v63  }
0x1b5: {  	_ = 	snop  }
0x1b6: {  	[spmem:s4] =	stream.indirect.scatter.add.f32 [tilespmem:s31], [sflag:$0x3], $0x1, s28, s12, $0xb8;
	[tilespmem:$0x1B640] =	vst v63  }
0x1b7: {  	_ =	swait.ge [sflag:s20], $0x2800  }
0x1b8: {  	[sflag:s20] =	ssyncset.done $0x0  }
0x1b9: {  	[sflag:s20] =	ssyncadd.s32 $0xFFFFD800  }
0x1ba: {  	_ =	swait.ge [sflag:s20], $0x50  }
0x1bb: {  	[sflag:s20] =	ssyncset.done $0x0  }
0x1bc: {  	[sflag:s20] =	ssyncadd.s32 $0xFFFFFFB0  }
0x1bd: {  	_ =	swait.ge [sflag:s20], $0x2800  }
0x1be: {  	[sflag:s20] =	ssyncset.done $0x0  }
0x1bf: {  	[sflag:s20] =	ssyncadd.s32 $0xFFFFD800  }
0x1c0: {  	_ =	swait.ge [sflag:s20], $0x50  }
0x1c1: {  	[sflag:s20] =	ssyncset.done $0x0  }
0x1c2: {  	[sflag:s20] =	ssyncadd.s32 $0xFFFFFFB0  }
0x1c3: {  	_ =	swait.ge [sflag:s20], $0x2800  }
0x1c4: {  	[sflag:s20] =	ssyncset.done $0x0  }
0x1c5: {  	[sflag:s20] =	ssyncadd.s32 $0xFFFFD800  }
0x1c6: {  	_ =	swait.ge [sflag:s20], $0x50  }
0x1c7: {  	[sflag:s20] =	ssyncset.done $0x0  }
0x1c8: {  	[sflag:s20] =	ssyncadd.s32 $0xFFFFFFB0  }
0x1c9: {  	_ =	swait.ge [sflag:s20], $0x2800  }
0x1ca: {  	[sflag:s20] =	ssyncset.done $0x0  }
0x1cb: {  	[sflag:s20] =	ssyncadd.s32 $0xFFFFD800  }
0x1cc: {  	_ =	swait.ge [sflag:s20], $0x50  }
0x1cd: {  	[sflag:s20] =	ssyncset.done $0x0  }
0x1ce: {  	[sflag:s20] =	ssyncadd.s32 $0xFFFFFFB0  }
0x1cf: {  	_ =	swait.ge [sflag:s20], $0x2800  }
0x1d0: {  	[sflag:s20] =	ssyncset.done $0x0  }
0x1d1: {  	[sflag:s20] =	ssyncadd.s32 $0xFFFFD800  }
0x1d2: {  	_ =	swait.ge [sflag:s20], $0x50  }
0x1d3: {  	[sflag:s20] =	ssyncset.done $0x0  }
0x1d4: {  	[sflag:s20] =	ssyncadd.s32 $0xFFFFFFB0  }
0x1d5: {  	[bflag:$0x0] =	sbarrier.arrive $0xFFFF  }
0x1d6: {  	s22 =	sld [smem:$0x7F9]  }
0x1d7: {  	s17 =	sld [smem:$0x7F8];
	_ =	sdelay $0x1  }
0x1d8: {  	s21 =	simm.s32 $0x5;
	s15 =	rddreg [dreg:$0x1d]  }
0x1d9: {  	[hbm:s22], [sflag:s15] =	dma.local [spmem:s17], $0x400  }
0x1da: {  	_ =	swait.ge [sflag:s21], $0x400  }
0x1db: {  	[sflag:s21] =	ssyncset.done $0x0  }
0x1dc: {  	s22 =	simm.s32 $0x19580;
	s17 =	rddreg [dreg:$0x1f];
	[sflag:s21] =	ssyncadd.s32 $0xFFFFFC00  }
0x1dd: {  	[tilespmem:s22], [sflag:$0x5] =	stream.linear.gather [spmem:s17], $0x40, $0x38;
	[tilespmem:$0x1B640] =	vst v63  }
0x1de: {  	_ =	swait.ge [sflag:s21], $0x40  }
0x1df: {  	s30 =	sld [smem:$0x7FA]  }
0x1e0: {  	[sflag:s21] =	ssyncset.done $0x0  }
0x1e1: {  	[sflag:s21] =	ssyncadd.s32 $0xFFFFFFC0  }
0x1e2: {  	[hbm4b:s30+s5] =	stream.linear.scatter [tilespmem:s22], [sflag:$0x5], $0x40, $0x38;
	[tilespmem:$0x1B640] =	vst v63  }
0x1e3: {  	_ =	swait.ge [sflag:s21], $0x40  }
0x1e4: {  	s29 =	sld [smem:$0x7F7]  }
0x1e5: {  	s30 =	sld [smem:$0x7FB];
	_ =	sdelay $0x1  }
0x1e6: {  	s29 =	sadd.s32 $0x1, s29  }
0x1e7: {  	p0 =	sne.s32 s29, s30  }
.Ltmp1:
0x1e8: {  	_ = 	snop;
	(pc) =	sbr.rel @p0 .LBB2_1-.Ltmp1, $3  }
0x1e9: {  	_ =	sdelay $0x1  }
0x1ea: {  	[sflag:s21] =	ssyncset.done $0x0  }
0x1eb: {  	s1 =	smov.u32 s13;
	[sflag:s21] =	ssyncadd.s32 $0xFFFFFFC0  }
0x1ec: {  	_ =	sfence.sel $0x180000  }
0x1ed: {  	[bflag:$0x0] =	sbarrier.arrive $0xFFFF  }
0x1ee: {  	_ =	strace $0x90000047  }
0x1ef: {  	s0 =	stileid.u32;
	[bflag:$0x2] =	sbarrier.arrive $0xFFFF  }
0x1f0: {  	p0 =	sne.s32 s0, $0x0;
	s0 =	rddreg [dreg:$0x6]  }
0x1f1: {  	s0 =	sadd.s32 @!p0 $0x100000, s0  }
0x1f2: {  	[sflag:s0] =	ssyncadd.tile.s32 @!p0 $0x1;
	_ =	shalt  }
.Lfunc_end2:
_tile_overlayer_lowered:
.L_overlay_start_2:
0x1f3: {  	(tag) =	ssettag $0x2  }
0x1f4: {  	s0 =	rddreg [dreg:$0x0];
	s2 =	stileid.u32  }
0x1f5: {  	s1 =	rddreg [dreg:$0x1];
	p0 =	sne.s32 s2, $0x0  }
0x1f6: {  	s3 =	rddreg [dreg:$0x2];
	[bflag:$0x3] =	sbarrier.arrive $0xFFFF;
	s2 =	simm.s32 @!p0 $0x1C05  }
0x1f7: {  	[timem:s3], [sflag:s2] =	dma.local @!p0 [hbm:s0], s1  }
0x1f8: {  	s0 =	simm.s32 @!p0 $0x5  }
0x1f9: {  	_ =	swait.ge @!p0 [sflag:s0], s1  }
0x1fa: {  	s1 =	ssub.s32 @!p0 $0x0, s1;
	[sflag:s0] =	ssyncset.done @!p0 $0x0  }
0x1fb: {  	[sflag:s0] =	ssyncadd.s32 @!p0 s1  }
0x1fc: {  	[bflag:$0x3] =	sbarrier.arrive $0xFFFF  }
0x1fd: {  	_ =	shalt  }

</sc_bundles>
